<compile_context>
chip_gen: v7x
topology: tpu7x:2x2x1
jax: 0.10.2.dev20260603
libtpu: 0.0.44.dev20260713+nightly
codegen_flags: <defaults>
</compile_context>

<pallas_src>
import jax
import jax.numpy as jnp
from jax import lax
from jax.experimental import pallas as pl
from jax.experimental.pallas import tpu as pltpu
from jax.experimental.pallas import tpu_sc as plsc

B, S, D, E = 4, 4096, 2048, 16
L = 16
WPB = 8

S_SC = 1024
S_TC = S - S_SC
ROWS_PER_W = S_SC // WPB
R = 16
NCHUNK = ROWS_PER_W // R
DBW = 64
NDB = D // DBW

TS = 512


def _sc_reduce_body(x_hbm, out_hbm, buf0, buf1, acc, sem0, sem1):
    c = lax.axis_index("c")
    s = lax.axis_index("s")
    bl = s // WPB
    j = s % WPB
    batch = 2 * c + bl
    row0 = S_TC + j * ROWS_PER_W

    zero = jnp.zeros((L,), jnp.float32)

    def _zero_acc(i, carry):
        acc[pl.ds(i * L, L)] = zero
        return carry
    lax.fori_loop(0, D // L, _zero_acc, 0)

    def start(chunk, buf, sem):
        pltpu.async_copy(x_hbm.at[batch, pl.ds(row0 + chunk * R, R), :],
                         buf, sem)

    def wait(buf, sem):
        pltpu.make_async_copy(x_hbm.at[0, pl.ds(0, R), :], buf, sem).wait()

    start(0, buf0, sem0)
    start(1, buf1, sem1)

    def accumulate(buf):
        def db_body(db, carry):
            base = db * DBW
            accs = [acc[pl.ds(base + k * L, L)] for k in range(DBW // L)]
            for r in range(R):
                for k in range(DBW // L):
                    accs[k] = accs[k] + buf[r, pl.ds(base + k * L, L)]
            for k in range(DBW // L):
                acc[pl.ds(base + k * L, L)] = accs[k]
            return carry
        lax.fori_loop(0, NDB, db_body, 0)

    def outer(g, carry):
        for off, (buf, sem) in enumerate(((buf0, sem0), (buf1, sem1))):
            chunk = 2 * g + off
            wait(buf, sem)
            accumulate(buf)

            @pl.when(chunk + 2 < NCHUNK)
            def _():
                start(chunk + 2, buf, sem)
        return carry
    lax.fori_loop(0, NCHUNK // 2, outer, 0)

    pltpu.sync_copy(acc, out_hbm.at[c * 16 + s])


def _make_sc_reduce():
    return pl.kernel(
        _sc_reduce_body,
        out_type=jax.ShapeDtypeStruct((32, D), jnp.float32),
        mesh=plsc.VectorSubcoreMesh(core_axis_name="c", subcore_axis_name="s"),
        scratch_types=[
            pltpu.VMEM((R, D), jnp.float32),
            pltpu.VMEM((R, D), jnp.float32),
            pltpu.VMEM((D,), jnp.float32),
            pltpu.SemaphoreType.DMA,
            pltpu.SemaphoreType.DMA,
        ],
    )


def _tc_reduce_body(x_ref, o_ref):
    sb = pl.program_id(0)

    @pl.when(sb == 0)
    def _():
        o_ref[...] = jnp.zeros_like(o_ref)
    o_ref[...] += jnp.sum(x_ref[...], axis=1)


def _tc_reduce(x):
    return pl.pallas_call(
        _tc_reduce_body,
        grid=(S_TC // TS,),
        in_specs=[pl.BlockSpec((B, TS, D), lambda s: (0, s, 0))],
        out_specs=pl.BlockSpec((B, D), lambda s: (0, 0)),
        out_shape=jax.ShapeDtypeStruct((B, D), jnp.float32),
    )(x)


def _gate_body(ptc_ref, psc_ref, w_ref, b_ref, sign_ref, ow_ref, os_ref):
    psc = jnp.sum(psc_ref[...].reshape(B, 32 // B, D), axis=1)
    pooled = (ptc_ref[...] + psc) * (1.0 / S)
    logits = jax.lax.dot_general(
        pooled, w_ref[...], (((1,), (0,)), ((), ())),
        preferred_element_type=jnp.float32) + b_ref[...][None, :]
    slg = sign_ref[...][None, :] * logits
    m = jnp.max(slg, axis=1, keepdims=True)
    ex = jnp.exp(slg - m)
    ow_ref[...] = ex / jnp.sum(ex, axis=1, keepdims=True)
    mx = jnp.max(logits, axis=1, keepdims=True)
    iota = lax.broadcasted_iota(jnp.int32, (B, E), 1)
    cand = jnp.where(logits == mx, iota, E)
    sel = jnp.min(cand, axis=1, keepdims=True)
    os_ref[...] = jnp.broadcast_to(sel, (B, E))


def _gate(ptc, psc, W, b, sign):
    return pl.pallas_call(
        _gate_body,
        out_shape=(jax.ShapeDtypeStruct((B, E), jnp.float32),
                   jax.ShapeDtypeStruct((B, E), jnp.int32)),
    )(ptc, psc, W, b, sign)


def kernel(x, W, b, noise_level):
    sign = jnp.where(jnp.asarray(noise_level, jnp.float32) > 0.5, 1.0, -1.0)
    sign = jnp.full((E,), sign, jnp.float32)
    psc = _make_sc_reduce()(x)
    ptc = _tc_reduce(x)
    out_w, out_sel = _gate(ptc, psc, W, b, sign)
    return out_sel[:, 0], out_w

# --- scband reference (transcript-rebuilt; emitter-appended) ---
"""Pipeline reference for scband-mo-erouter-53833120088718 (READ-ONLY COPY).

The authoritative reference and input builder live on the scoring server;
editing this copy changes nothing except your own understanding.
"""

import jax, jax.numpy as jnp
import numpy as np

B, S, D, E = 4, 4096, 2048, 16

def setup_inputs(seed: int = 0) -> dict:
    key = jax.random.key(seed)
    k1, k2 = jax.random.split(key, 2)
    x = jax.random.normal(k1, (B, S, D), dtype=jnp.float32)
    W = jax.random.normal(k2, (D, E), dtype=jnp.float32) * (1.0 / np.sqrt(D))
    b = jnp.zeros((E,), dtype=jnp.float32)
    noise_level = 1  # > noise_threshold (0.5) -> softmax/argmax branch
    return {"x": x, "W": W, "b": b, "noise_level": noise_level}

def reference(x, W, b, noise_level):
    # gate_logits = self.gate(x.mean(dim=1))
    pooled = jnp.mean(x, axis=1)                      # [B, D]
    gate_logits = pooled @ W + b                      # [B, E]

    def _softmax_branch(logits):
        expert_weights = jax.nn.softmax(logits, axis=-1)
        selected_expert = jnp.argmax(expert_weights, axis=-1)
        return (selected_expert, expert_weights)

    def _softmin_branch(logits):
        # F.softmin(x) == softmax(-x)
        expert_weights = jax.nn.softmax(-logits, axis=-1)
        selected_expert = jnp.argmin(expert_weights, axis=-1)
        return (selected_expert, expert_weights)

    return jax.lax.cond(noise_level > 0.5, _softmax_branch, _softmin_branch, gate_logits)

if __name__ == "__main__":
    import jax
    _d = setup_inputs()
    print(jax.jit(kernel)(*tuple(_d.values())))

</pallas_src>

<mosaic_0001>
#map = affine_map<(d0, d1) -> (0, 0, 0)>
#map1 = affine_map<(d0, d1) -> (0, 0)>
module attributes {stable_mosaic.version = 14 : i64} {
  func.func @_sc_reduce_body(%arg0: i32, %arg1: i32, %arg2: memref<4x4096x2048xf32, #tpu.memory_space<hbm>>, %arg3: memref<32x2048xf32, #tpu.memory_space<hbm>>, %arg4: memref<16x2048xf32, #tpu.memory_space<vmem>>, %arg5: memref<16x2048xf32, #tpu.memory_space<vmem>>, %arg6: memref<2048xf32, #tpu.memory_space<vmem>>, %arg7: memref<!tpu.dma_semaphore, #tpu.memory_space<semaphore_mem>>, %arg8: memref<!tpu.dma_semaphore, #tpu.memory_space<semaphore_mem>>) attributes {dimension_semantics = [#tpu.dimension_semantics<core_parallel>, #tpu.dimension_semantics<subcore_parallel>], iteration_bounds = array<i64: 2, 16>, scalar_prefetch = 0 : i64, scratch_operands = 5 : i64, tpu.core_type = #tpu.core_type<sc_vector_subcore>, window_params = [{transform_indices = #map}, {transform_indices = #map1}]} {
    %jit3A = arith.constant 8 : i32
    %div3A = arith.divsi %arg1, %jit3A : i32
    %sign3A = arith.constant 0 : i32
    %sign3A_0 = arith.cmpi sgt, %arg1, %sign3A : i32
    %sign3A_1 = arith.extui %sign3A_0 : i1 to i32
    %sign3A_2 = arith.constant 0 : i32
    %sign3A_3 = arith.cmpi slt, %arg1, %sign3A_2 : i32
    %sign3A_4 = arith.extui %sign3A_3 : i1 to i32
    %sign3A_5 = arith.subi %sign3A_1, %sign3A_4 : i32
    %sign3A_6 = arith.constant 0 : i32
    %sign3A_7 = arith.cmpi sgt, %jit3A, %sign3A_6 : i32
    %sign3A_8 = arith.extui %sign3A_7 : i1 to i32
    %sign3A_9 = arith.constant 0 : i32
    %sign3A_10 = arith.cmpi slt, %jit3A, %sign3A_9 : i32
    %sign3A_11 = arith.extui %sign3A_10 : i1 to i32
    %sign3A_12 = arith.subi %sign3A_8, %sign3A_11 : i32
    %ne3A = arith.cmpi ne, %sign3A_5, %sign3A_12 : i32
    %rem3A = arith.remsi %arg1, %jit3A : i32
    %ne3A_13 = arith.constant 0 : i32
    %ne3A_14 = arith.cmpi ne, %rem3A, %ne3A_13 : i32
    %and3A = arith.andi %ne3A, %ne3A_14 : i1
    %sub3A = arith.constant 1 : i32
    %sub3A_15 = arith.subi %div3A, %sub3A : i32
    %select_n3A = arith.select %and3A, %sub3A_15, %div3A : i32
    %jit3A_16 = arith.constant 8 : i32
    %eq3A = arith.constant 0 : i32
    %eq3A_17 = arith.cmpi eq, %jit3A_16, %eq3A : i32
    %jit3A_18 = arith.constant 1 : i32
    %select_n3A_19 = arith.select %eq3A_17, %jit3A_18, %jit3A_16 : i32
    %rem3A_20 = arith.remsi %arg1, %select_n3A_19 : i32
    %ne3A_21 = arith.constant 0 : i32
    %ne3A_22 = arith.cmpi ne, %rem3A_20, %ne3A_21 : i32
    %lt3A = arith.constant 0 : i32
    %lt3A_23 = arith.cmpi slt, %rem3A_20, %lt3A : i32
    %lt3A_24 = arith.constant 0 : i32
    %lt3A_25 = arith.cmpi slt, %select_n3A_19, %lt3A_24 : i32
    %ne3A_26 = arith.xori %lt3A_23, %lt3A_25 : i1
    %and3A_27 = arith.andi %ne3A_26, %ne3A_22 : i1
    %add3A = arith.addi %rem3A_20, %select_n3A_19 : i32
    %select_n3A_28 = arith.select %and3A_27, %add3A, %rem3A_20 : i32
    %mul3A = arith.constant 2 : i32
    %mul3A_29 = arith.muli %mul3A, %arg0 : i32
    %add3A_30 = arith.addi %mul3A_29, %select_n3A : i32
    %mul3A_31 = arith.constant 128 : i32
    %mul3A_32 = arith.muli %select_n3A_28, %mul3A_31 : i32
    %add3A_33 = arith.constant 3072 : i32
    %add3A_34 = arith.addi %add3A_33, %mul3A_32 : i32
    %broadcast_in_dim3A = arith.constant 0.000000e+00 : f32
    %broadcast_in_dim3A_35 = vector.broadcast %broadcast_in_dim3A : f32 to vector<16xf32>
    %scan3A = arith.constant 0 : i32
    %scan3A_36 = arith.constant 0 : i32
    %scan3A_37 = arith.constant 128 : i32
    %scan3A_38 = arith.addi %scan3A_36, %scan3A_37 : i32
    %scan3A_39 = arith.constant 1 : i32
    scf.for %scan3A_65 = %scan3A_36 to %scan3A_38 step %scan3A_39  : i32 {
      %mul3A_66 = arith.constant 16 : i32
      %mul3A_67 = arith.muli %scan3A_65, %mul3A_66 : i32
      %swap3A = arith.index_cast %mul3A_67 : i32 to index
      %swap3A_68 = tpu.vector_load %arg6[%swap3A] {strides = array<i32>} : memref<2048xf32, #tpu.memory_space<vmem>>, vector<16xf32>,
      %swap3A_69 = vector.shape_cast %swap3A_68 : vector<16xf32> to vector<16xf32>
      %swap3A_70 = vector.shape_cast %broadcast_in_dim3A_35 : vector<16xf32> to vector<16xf32>
      tpu.vector_store %arg6[%swap3A], %swap3A_70 {strides = array<i32>} : memref<2048xf32, #tpu.memory_space<vmem>>, vector<16xf32>,
    }
    %scan3A_40 = arith.constant 128 : i32
    %add3A_41 = arith.constant 0 : i32
    %add3A_42 = arith.addi %add3A_34, %add3A_41 : i32
    %dma_start3A = arith.constant 0 : i32
    %dma_start3A_43 = tpu.memref_slice %arg2[%add3A_30, %add3A_42, %dma_start3A] : memref<4x4096x2048xf32, #tpu.memory_space<hbm>> -> memref<1x16x2048xf32, #tpu.memory_space<hbm>>
    %dma_start3A_44 = tpu.memref_squeeze %dma_start3A_43 : memref<1x16x2048xf32, #tpu.memory_space<hbm>> -> memref<16x2048xf32, #tpu.memory_space<hbm>>
    %dma_start3A_45 = arith.constant 0 : i32
    %dma_start3A_46 = tpu.memref_slice %arg2[%add3A_30, %add3A_42, %dma_start3A_45] : memref<4x4096x2048xf32, #tpu.memory_space<hbm>> -> memref<1x16x2048xf32, #tpu.memory_space<hbm>>
    %dma_start3A_47 = tpu.memref_squeeze %dma_start3A_46 : memref<1x16x2048xf32, #tpu.memory_space<hbm>> -> memref<16x2048xf32, #tpu.memory_space<hbm>>
    tpu.enqueue_dma source(%dma_start3A_47 : memref<16x2048xf32, #tpu.memory_space<hbm>>) target(%arg4 : memref<16x2048xf32, #tpu.memory_space<vmem>>) target_semaphore(%arg7 : memref<!tpu.dma_semaphore, #tpu.memory_space<semaphore_mem>>)
    %add3A_48 = arith.constant 16 : i32
    %add3A_49 = arith.addi %add3A_34, %add3A_48 : i32
    %dma_start3A_50 = arith.constant 0 : i32
    %dma_start3A_51 = tpu.memref_slice %arg2[%add3A_30, %add3A_49, %dma_start3A_50] : memref<4x4096x2048xf32, #tpu.memory_space<hbm>> -> memref<1x16x2048xf32, #tpu.memory_space<hbm>>
    %dma_start3A_52 = tpu.memref_squeeze %dma_start3A_51 : memref<1x16x2048xf32, #tpu.memory_space<hbm>> -> memref<16x2048xf32, #tpu.memory_space<hbm>>
    %dma_start3A_53 = arith.constant 0 : i32
    %dma_start3A_54 = tpu.memref_slice %arg2[%add3A_30, %add3A_49, %dma_start3A_53] : memref<4x4096x2048xf32, #tpu.memory_space<hbm>> -> memref<1x16x2048xf32, #tpu.memory_space<hbm>>
    %dma_start3A_55 = tpu.memref_squeeze %dma_start3A_54 : memref<1x16x2048xf32, #tpu.memory_space<hbm>> -> memref<16x2048xf32, #tpu.memory_space<hbm>>
    tpu.enqueue_dma source(%dma_start3A_55 : memref<16x2048xf32, #tpu.memory_space<hbm>>) target(%arg5 : memref<16x2048xf32, #tpu.memory_space<vmem>>) target_semaphore(%arg8 : memref<!tpu.dma_semaphore, #tpu.memory_space<semaphore_mem>>)
    %scan3A_56 = arith.constant 0 : i32
    %scan3A_57 = arith.constant 0 : i32
    %scan3A_58 = arith.constant 4 : i32
    %scan3A_59 = arith.addi %scan3A_57, %scan3A_58 : i32
    %scan3A_60 = arith.constant 1 : i32
    scf.for %scan3A_65 = %scan3A_57 to %scan3A_59 step %scan3A_60  : i32 {
      %mul3A_66 = arith.constant 2 : i32
      %mul3A_67 = arith.muli %mul3A_66, %scan3A_65 : i32
      %add3A_68 = arith.constant 0 : i32
      %add3A_69 = arith.addi %mul3A_67, %add3A_68 : i32
      %dma_wait3A = arith.constant 0 : i32
      %dma_wait3A_70 = arith.constant 0 : i32
      %dma_wait3A_71 = arith.constant 0 : i32
      %dma_wait3A_72 = tpu.memref_slice %arg2[%dma_wait3A, %dma_wait3A_70, %dma_wait3A_71] : memref<4x4096x2048xf32, #tpu.memory_space<hbm>> -> memref<1x16x2048xf32, #tpu.memory_space<hbm>>
      %dma_wait3A_73 = tpu.memref_squeeze %dma_wait3A_72 : memref<1x16x2048xf32, #tpu.memory_space<hbm>> -> memref<16x2048xf32, #tpu.memory_space<hbm>>
      %dma_wait3A_74 = arith.constant 0 : i32
      %dma_wait3A_75 = arith.constant 0 : i32
      %dma_wait3A_76 = tpu.memref_slice %arg2[%dma_wait3A, %dma_wait3A_74, %dma_wait3A_75] : memref<4x4096x2048xf32, #tpu.memory_space<hbm>> -> memref<1x16x2048xf32, #tpu.memory_space<hbm>>
      %dma_wait3A_77 = tpu.memref_squeeze %dma_wait3A_76 : memref<1x16x2048xf32, #tpu.memory_space<hbm>> -> memref<16x2048xf32, #tpu.memory_space<hbm>>
      tpu.wait_dma2 semaphore(%arg7 : memref<!tpu.dma_semaphore, #tpu.memory_space<semaphore_mem>>) src(%dma_wait3A_77 : memref<16x2048xf32, #tpu.memory_space<hbm>>) dst(%arg4 : memref<16x2048xf32, #tpu.memory_space<vmem>>)
      %scan3A_78 = arith.constant 0 : i32
      %scan3A_79 = arith.constant 0 : i32
      %scan3A_80 = arith.constant 32 : i32
      %scan3A_81 = arith.addi %scan3A_79, %scan3A_80 : i32
      %scan3A_82 = arith.constant 1 : i32
      scf.for %scan3A_115 = %scan3A_79 to %scan3A_81 step %scan3A_82  : i32 {
        %mul3A_116 = arith.constant 64 : i32
        %mul3A_117 = arith.muli %scan3A_115, %mul3A_116 : i32
        %add3A_118 = arith.constant 0 : i32
        %add3A_119 = arith.addi %mul3A_117, %add3A_118 : i32
        %get3A = arith.index_cast %add3A_119 : i32 to index
        %get3A_120 = tpu.vector_load %arg6[%get3A] {strides = array<i32>} : memref<2048xf32, #tpu.memory_space<vmem>>, vector<16xf32>,
        %get3A_121 = vector.shape_cast %get3A_120 : vector<16xf32> to vector<16xf32>
        %add3A_122 = arith.constant 16 : i32
        %add3A_123 = arith.addi %mul3A_117, %add3A_122 : i32
        %get3A_124 = arith.index_cast %add3A_123 : i32 to index
        %get3A_125 = tpu.vector_load %arg6[%get3A_124] {strides = array<i32>} : memref<2048xf32, #tpu.memory_space<vmem>>, vector<16xf32>,
        %get3A_126 = vector.shape_cast %get3A_125 : vector<16xf32> to vector<16xf32>
        %add3A_127 = arith.constant 32 : i32
        %add3A_128 = arith.addi %mul3A_117, %add3A_127 : i32
        %get3A_129 = arith.index_cast %add3A_128 : i32 to index
        %get3A_130 = tpu.vector_load %arg6[%get3A_129] {strides = array<i32>} : memref<2048xf32, #tpu.memory_space<vmem>>, vector<16xf32>,
        %get3A_131 = vector.shape_cast %get3A_130 : vector<16xf32> to vector<16xf32>
        %add3A_132 = arith.constant 48 : i32
        %add3A_133 = arith.addi %mul3A_117, %add3A_132 : i32
        %get3A_134 = arith.index_cast %add3A_133 : i32 to index
        %get3A_135 = tpu.vector_load %arg6[%get3A_134] {strides = array<i32>} : memref<2048xf32, #tpu.memory_space<vmem>>, vector<16xf32>,
        %get3A_136 = vector.shape_cast %get3A_135 : vector<16xf32> to vector<16xf32>
        %add3A_137 = arith.constant 0 : i32
        %add3A_138 = arith.addi %mul3A_117, %add3A_137 : i32
        %get3A_139 = arith.constant 0 : i32
        %get3A_140 = arith.index_cast %get3A_139 : i32 to index
        %get3A_141 = arith.index_cast %add3A_138 : i32 to index
        %get3A_142 = tpu.vector_load %arg4[%get3A_140, %get3A_141] {strides = array<i32>} : memref<16x2048xf32, #tpu.memory_space<vmem>>, vector<1x16xf32>,
        %get3A_143 = vector.shape_cast %get3A_142 : vector<1x16xf32> to vector<16xf32>
        %add3A_144 = arith.addf %get3A_121, %get3A_143 : vector<16xf32>
        %add3A_145 = arith.constant 16 : i32
        %add3A_146 = arith.addi %mul3A_117, %add3A_145 : i32
        %get3A_147 = arith.constant 0 : i32
        %get3A_148 = arith.index_cast %get3A_147 : i32 to index
        %get3A_149 = arith.index_cast %add3A_146 : i32 to index
        %get3A_150 = tpu.vector_load %arg4[%get3A_148, %get3A_149] {strides = array<i32>} : memref<16x2048xf32, #tpu.memory_space<vmem>>, vector<1x16xf32>,
        %get3A_151 = vector.shape_cast %get3A_150 : vector<1x16xf32> to vector<16xf32>
        %add3A_152 = arith.addf %get3A_126, %get3A_151 : vector<16xf32>
        %add3A_153 = arith.constant 32 : i32
        %add3A_154 = arith.addi %mul3A_117, %add3A_153 : i32
        %get3A_155 = arith.constant 0 : i32
        %get3A_156 = arith.index_cast %get3A_155 : i32 to index
        %get3A_157 = arith.index_cast %add3A_154 : i32 to index
        %get3A_158 = tpu.vector_load %arg4[%get3A_156, %get3A_157] {strides = array<i32>} : memref<16x2048xf32, #tpu.memory_space<vmem>>, vector<1x16xf32>,
        %get3A_159 = vector.shape_cast %get3A_158 : vector<1x16xf32> to vector<16xf32>
        %add3A_160 = arith.addf %get3A_131, %get3A_159 : vector<16xf32>
        %add3A_161 = arith.constant 48 : i32
        %add3A_162 = arith.addi %mul3A_117, %add3A_161 : i32
        %get3A_163 = arith.constant 0 : i32
        %get3A_164 = arith.index_cast %get3A_163 : i32 to index
        %get3A_165 = arith.index_cast %add3A_162 : i32 to index
        %get3A_166 = tpu.vector_load %arg4[%get3A_164, %get3A_165] {strides = array<i32>} : memref<16x2048xf32, #tpu.memory_space<vmem>>, vector<1x16xf32>,
        %get3A_167 = vector.shape_cast %get3A_166 : vector<1x16xf32> to vector<16xf32>
        %add3A_168 = arith.addf %get3A_136, %get3A_167 : vector<16xf32>
        %add3A_169 = arith.constant 0 : i32
        %add3A_170 = arith.addi %mul3A_117, %add3A_169 : i32
        %get3A_171 = arith.constant 1 : i32
        %get3A_172 = arith.index_cast %get3A_171 : i32 to index
        %get3A_173 = arith.index_cast %add3A_170 : i32 to index
        %get3A_174 = tpu.vector_load %arg4[%get3A_172, %get3A_173] {strides = array<i32>} : memref<16x2048xf32, #tpu.memory_space<vmem>>, vector<1x16xf32>,
        %get3A_175 = vector.shape_cast %get3A_174 : vector<1x16xf32> to vector<16xf32>
        %add3A_176 = arith.addf %add3A_144, %get3A_175 : vector<16xf32>
        %add3A_177 = arith.constant 16 : i32
        %add3A_178 = arith.addi %mul3A_117, %add3A_177 : i32
        %get3A_179 = arith.constant 1 : i32
        %get3A_180 = arith.index_cast %get3A_179 : i32 to index
        %get3A_181 = arith.index_cast %add3A_178 : i32 to index
        %get3A_182 = tpu.vector_load %arg4[%get3A_180, %get3A_181] {strides = array<i32>} : memref<16x2048xf32, #tpu.memory_space<vmem>>, vector<1x16xf32>,
        %get3A_183 = vector.shape_cast %get3A_182 : vector<1x16xf32> to vector<16xf32>
        %add3A_184 = arith.addf %add3A_152, %get3A_183 : vector<16xf32>
        %add3A_185 = arith.constant 32 : i32
        %add3A_186 = arith.addi %mul3A_117, %add3A_185 : i32
        %get3A_187 = arith.constant 1 : i32
        %get3A_188 = arith.index_cast %get3A_187 : i32 to index
        %get3A_189 = arith.index_cast %add3A_186 : i32 to index
        %get3A_190 = tpu.vector_load %arg4[%get3A_188, %get3A_189] {strides = array<i32>} : memref<16x2048xf32, #tpu.memory_space<vmem>>, vector<1x16xf32>,
        %get3A_191 = vector.shape_cast %get3A_190 : vector<1x16xf32> to vector<16xf32>
        %add3A_192 = arith.addf %add3A_160, %get3A_191 : vector<16xf32>
        %add3A_193 = arith.constant 48 : i32
        %add3A_194 = arith.addi %mul3A_117, %add3A_193 : i32
        %get3A_195 = arith.constant 1 : i32
        %get3A_196 = arith.index_cast %get3A_195 : i32 to index
        %get3A_197 = arith.index_cast %add3A_194 : i32 to index
        %get3A_198 = tpu.vector_load %arg4[%get3A_196, %get3A_197] {strides = array<i32>} : memref<16x2048xf32, #tpu.memory_space<vmem>>, vector<1x16xf32>,
        %get3A_199 = vector.shape_cast %get3A_198 : vector<1x16xf32> to vector<16xf32>
        %add3A_200 = arith.addf %add3A_168, %get3A_199 : vector<16xf32>
        %add3A_201 = arith.constant 0 : i32
        %add3A_202 = arith.addi %mul3A_117, %add3A_201 : i32
        %get3A_203 = arith.constant 2 : i32
        %get3A_204 = arith.index_cast %get3A_203 : i32 to index
        %get3A_205 = arith.index_cast %add3A_202 : i32 to index
        %get3A_206 = tpu.vector_load %arg4[%get3A_204, %get3A_205] {strides = array<i32>} : memref<16x2048xf32, #tpu.memory_space<vmem>>, vector<1x16xf32>,
        %get3A_207 = vector.shape_cast %get3A_206 : vector<1x16xf32> to vector<16xf32>
        %add3A_208 = arith.addf %add3A_176, %get3A_207 : vector<16xf32>
        %add3A_209 = arith.constant 16 : i32
        %add3A_210 = arith.addi %mul3A_117, %add3A_209 : i32
        %get3A_211 = arith.constant 2 : i32
        %get3A_212 = arith.index_cast %get3A_211 : i32 to index
        %get3A_213 = arith.index_cast %add3A_210 : i32 to index
        %get3A_214 = tpu.vector_load %arg4[%get3A_212, %get3A_213] {strides = array<i32>} : memref<16x2048xf32, #tpu.memory_space<vmem>>, vector<1x16xf32>,
        %get3A_215 = vector.shape_cast %get3A_214 : vector<1x16xf32> to vector<16xf32>
        %add3A_216 = arith.addf %add3A_184, %get3A_215 : vector<16xf32>
        %add3A_217 = arith.constant 32 : i32
        %add3A_218 = arith.addi %mul3A_117, %add3A_217 : i32
        %get3A_219 = arith.constant 2 : i32
        %get3A_220 = arith.index_cast %get3A_219 : i32 to index
        %get3A_221 = arith.index_cast %add3A_218 : i32 to index
        %get3A_222 = tpu.vector_load %arg4[%get3A_220, %get3A_221] {strides = array<i32>} : memref<16x2048xf32, #tpu.memory_space<vmem>>, vector<1x16xf32>,
        %get3A_223 = vector.shape_cast %get3A_222 : vector<1x16xf32> to vector<16xf32>
        %add3A_224 = arith.addf %add3A_192, %get3A_223 : vector<16xf32>
        %add3A_225 = arith.constant 48 : i32
        %add3A_226 = arith.addi %mul3A_117, %add3A_225 : i32
        %get3A_227 = arith.constant 2 : i32
        %get3A_228 = arith.index_cast %get3A_227 : i32 to index
        %get3A_229 = arith.index_cast %add3A_226 : i32 to index
        %get3A_230 = tpu.vector_load %arg4[%get3A_228, %get3A_229] {strides = array<i32>} : memref<16x2048xf32, #tpu.memory_space<vmem>>, vector<1x16xf32>,
        %get3A_231 = vector.shape_cast %get3A_230 : vector<1x16xf32> to vector<16xf32>
        %add3A_232 = arith.addf %add3A_200, %get3A_231 : vector<16xf32>
        %add3A_233 = arith.constant 0 : i32
        %add3A_234 = arith.addi %mul3A_117, %add3A_233 : i32
        %get3A_235 = arith.constant 3 : i32
        %get3A_236 = arith.index_cast %get3A_235 : i32 to index
        %get3A_237 = arith.index_cast %add3A_234 : i32 to index
        %get3A_238 = tpu.vector_load %arg4[%get3A_236, %get3A_237] {strides = array<i32>} : memref<16x2048xf32, #tpu.memory_space<vmem>>, vector<1x16xf32>,
        %get3A_239 = vector.shape_cast %get3A_238 : vector<1x16xf32> to vector<16xf32>
        %add3A_240 = arith.addf %add3A_208, %get3A_239 : vector<16xf32>
        %add3A_241 = arith.constant 16 : i32
        %add3A_242 = arith.addi %mul3A_117, %add3A_241 : i32
        %get3A_243 = arith.constant 3 : i32
        %get3A_244 = arith.index_cast %get3A_243 : i32 to index
        %get3A_245 = arith.index_cast %add3A_242 : i32 to index
        %get3A_246 = tpu.vector_load %arg4[%get3A_244, %get3A_245] {strides = array<i32>} : memref<16x2048xf32, #tpu.memory_space<vmem>>, vector<1x16xf32>,
        %get3A_247 = vector.shape_cast %get3A_246 : vector<1x16xf32> to vector<16xf32>
        %add3A_248 = arith.addf %add3A_216, %get3A_247 : vector<16xf32>
        %add3A_249 = arith.constant 32 : i32
        %add3A_250 = arith.addi %mul3A_117, %add3A_249 : i32
        %get3A_251 = arith.constant 3 : i32
        %get3A_252 = arith.index_cast %get3A_251 : i32 to index
        %get3A_253 = arith.index_cast %add3A_250 : i32 to index
        %get3A_254 = tpu.vector_load %arg4[%get3A_252, %get3A_253] {strides = array<i32>} : memref<16x2048xf32, #tpu.memory_space<vmem>>, vector<1x16xf32>,
        %get3A_255 = vector.shape_cast %get3A_254 : vector<1x16xf32> to vector<16xf32>
        %add3A_256 = arith.addf %add3A_224, %get3A_255 : vector<16xf32>
        %add3A_257 = arith.constant 48 : i32
        %add3A_258 = arith.addi %mul3A_117, %add3A_257 : i32
        %get3A_259 = arith.constant 3 : i32
        %get3A_260 = arith.index_cast %get3A_259 : i32 to index
        %get3A_261 = arith.index_cast %add3A_258 : i32 to index
        %get3A_262 = tpu.vector_load %arg4[%get3A_260, %get3A_261] {strides = array<i32>} : memref<16x2048xf32, #tpu.memory_space<vmem>>, vector<1x16xf32>,
        %get3A_263 = vector.shape_cast %get3A_262 : vector<1x16xf32> to vector<16xf32>
        %add3A_264 = arith.addf %add3A_232, %get3A_263 : vector<16xf32>
        %add3A_265 = arith.constant 0 : i32
        %add3A_266 = arith.addi %mul3A_117, %add3A_265 : i32
        %get3A_267 = arith.constant 4 : i32
        %get3A_268 = arith.index_cast %get3A_267 : i32 to index
        %get3A_269 = arith.index_cast %add3A_266 : i32 to index
        %get3A_270 = tpu.vector_load %arg4[%get3A_268, %get3A_269] {strides = array<i32>} : memref<16x2048xf32, #tpu.memory_space<vmem>>, vector<1x16xf32>,
        %get3A_271 = vector.shape_cast %get3A_270 : vector<1x16xf32> to vector<16xf32>
        %add3A_272 = arith.addf %add3A_240, %get3A_271 : vector<16xf32>
        %add3A_273 = arith.constant 16 : i32
        %add3A_274 = arith.addi %mul3A_117, %add3A_273 : i32
        %get3A_275 = arith.constant 4 : i32
        %get3A_276 = arith.index_cast %get3A_275 : i32 to index
        %get3A_277 = arith.index_cast %add3A_274 : i32 to index
        %get3A_278 = tpu.vector_load %arg4[%get3A_276, %get3A_277] {strides = array<i32>} : memref<16x2048xf32, #tpu.memory_space<vmem>>, vector<1x16xf32>,
        %get3A_279 = vector.shape_cast %get3A_278 : vector<1x16xf32> to vector<16xf32>
        %add3A_280 = arith.addf %add3A_248, %get3A_279 : vector<16xf32>
        %add3A_281 = arith.constant 32 : i32
        %add3A_282 = arith.addi %mul3A_117, %add3A_281 : i32
        %get3A_283 = arith.constant 4 : i32
        %get3A_284 = arith.index_cast %get3A_283 : i32 to index
        %get3A_285 = arith.index_cast %add3A_282 : i32 to index
        %get3A_286 = tpu.vector_load %arg4[%get3A_284, %get3A_285] {strides = array<i32>} : memref<16x2048xf32, #tpu.memory_space<vmem>>, vector<1x16xf32>,
        %get3A_287 = vector.shape_cast %get3A_286 : vector<1x16xf32> to vector<16xf32>
        %add3A_288 = arith.addf %add3A_256, %get3A_287 : vector<16xf32>
        %add3A_289 = arith.constant 48 : i32
        %add3A_290 = arith.addi %mul3A_117, %add3A_289 : i32
        %get3A_291 = arith.constant 4 : i32
        %get3A_292 = arith.index_cast %get3A_291 : i32 to index
        %get3A_293 = arith.index_cast %add3A_290 : i32 to index
        %get3A_294 = tpu.vector_load %arg4[%get3A_292, %get3A_293] {strides = array<i32>} : memref<16x2048xf32, #tpu.memory_space<vmem>>, vector<1x16xf32>,
        %get3A_295 = vector.shape_cast %get3A_294 : vector<1x16xf32> to vector<16xf32>
        %add3A_296 = arith.addf %add3A_264, %get3A_295 : vector<16xf32>
        %add3A_297 = arith.constant 0 : i32
        %add3A_298 = arith.addi %mul3A_117, %add3A_297 : i32
        %get3A_299 = arith.constant 5 : i32
        %get3A_300 = arith.index_cast %get3A_299 : i32 to index
        %get3A_301 = arith.index_cast %add3A_298 : i32 to index
        %get3A_302 = tpu.vector_load %arg4[%get3A_300, %get3A_301] {strides = array<i32>} : memref<16x2048xf32, #tpu.memory_space<vmem>>, vector<1x16xf32>,
        %get3A_303 = vector.shape_cast %get3A_302 : vector<1x16xf32> to vector<16xf32>
        %add3A_304 = arith.addf %add3A_272, %get3A_303 : vector<16xf32>
        %add3A_305 = arith.constant 16 : i32
        %add3A_306 = arith.addi %mul3A_117, %add3A_305 : i32
        %get3A_307 = arith.constant 5 : i32
        %get3A_308 = arith.index_cast %get3A_307 : i32 to index
        %get3A_309 = arith.index_cast %add3A_306 : i32 to index
        %get3A_310 = tpu.vector_load %arg4[%get3A_308, %get3A_309] {strides = array<i32>} : memref<16x2048xf32, #tpu.memory_space<vmem>>, vector<1x16xf32>,
        %get3A_311 = vector.shape_cast %get3A_310 : vector<1x16xf32> to vector<16xf32>
        %add3A_312 = arith.addf %add3A_280, %get3A_311 : vector<16xf32>
        %add3A_313 = arith.constant 32 : i32
        %add3A_314 = arith.addi %mul3A_117, %add3A_313 : i32
        %get3A_315 = arith.constant 5 : i32
        %get3A_316 = arith.index_cast %get3A_315 : i32 to index
        %get3A_317 = arith.index_cast %add3A_314 : i32 to index
        %get3A_318 = tpu.vector_load %arg4[%get3A_316, %get3A_317] {strides = array<i32>} : memref<16x2048xf32, #tpu.memory_space<vmem>>, vector<1x16xf32>,
        %get3A_319 = vector.shape_cast %get3A_318 : vector<1x16xf32> to vector<16xf32>
        %add3A_320 = arith.addf %add3A_288, %get3A_319 : vector<16xf32>
        %add3A_321 = arith.constant 48 : i32
        %add3A_322 = arith.addi %mul3A_117, %add3A_321 : i32
        %get3A_323 = arith.constant 5 : i32
        %get3A_324 = arith.index_cast %get3A_323 : i32 to index
        %get3A_325 = arith.index_cast %add3A_322 : i32 to index
        %get3A_326 = tpu.vector_load %arg4[%get3A_324, %get3A_325] {strides = array<i32>} : memref<16x2048xf32, #tpu.memory_space<vmem>>, vector<1x16xf32>,
        %get3A_327 = vector.shape_cast %get3A_326 : vector<1x16xf32> to vector<16xf32>
        %add3A_328 = arith.addf %add3A_296, %get3A_327 : vector<16xf32>
        %add3A_329 = arith.constant 0 : i32
        %add3A_330 = arith.addi %mul3A_117, %add3A_329 : i32
        %get3A_331 = arith.constant 6 : i32
        %get3A_332 = arith.index_cast %get3A_331 : i32 to index
        %get3A_333 = arith.index_cast %add3A_330 : i32 to index
        %get3A_334 = tpu.vector_load %arg4[%get3A_332, %get3A_333] {strides = array<i32>} : memref<16x2048xf32, #tpu.memory_space<vmem>>, vector<1x16xf32>,
        %get3A_335 = vector.shape_cast %get3A_334 : vector<1x16xf32> to vector<16xf32>
        %add3A_336 = arith.addf %add3A_304, %get3A_335 : vector<16xf32>
        %add3A_337 = arith.constant 16 : i32
        %add3A_338 = arith.addi %mul3A_117, %add3A_337 : i32
        %get3A_339 = arith.constant 6 : i32
        %get3A_340 = arith.index_cast %get3A_339 : i32 to index
        %get3A_341 = arith.index_cast %add3A_338 : i32 to index
        %get3A_342 = tpu.vector_load %arg4[%get3A_340, %get3A_341] {strides = array<i32>} : memref<16x2048xf32, #tpu.memory_space<vmem>>, vector<1x16xf32>,
        %get3A_343 = vector.shape_cast %get3A_342 : vector<1x16xf32> to vector<16xf32>
        %add3A_344 = arith.addf %add3A_312, %get3A_343 : vector<16xf32>
        %add3A_345 = arith.constant 32 : i32
        %add3A_346 = arith.addi %mul3A_117, %add3A_345 : i32
        %get3A_347 = arith.constant 6 : i32
        %get3A_348 = arith.index_cast %get3A_347 : i32 to index
        %get3A_349 = arith.index_cast %add3A_346 : i32 to index
        %get3A_350 = tpu.vector_load %arg4[%get3A_348, %get3A_349] {strides = array<i32>} : memref<16x2048xf32, #tpu.memory_space<vmem>>, vector<1x16xf32>,
        %get3A_351 = vector.shape_cast %get3A_350 : vector<1x16xf32> to vector<16xf32>
        %add3A_352 = arith.addf %add3A_320, %get3A_351 : vector<16xf32>
        %add3A_353 = arith.constant 48 : i32
        %add3A_354 = arith.addi %mul3A_117, %add3A_353 : i32
        %get3A_355 = arith.constant 6 : i32
        %get3A_356 = arith.index_cast %get3A_355 : i32 to index
        %get3A_357 = arith.index_cast %add3A_354 : i32 to index
        %get3A_358 = tpu.vector_load %arg4[%get3A_356, %get3A_357] {strides = array<i32>} : memref<16x2048xf32, #tpu.memory_space<vmem>>, vector<1x16xf32>,
        %get3A_359 = vector.shape_cast %get3A_358 : vector<1x16xf32> to vector<16xf32>
        %add3A_360 = arith.addf %add3A_328, %get3A_359 : vector<16xf32>
        %add3A_361 = arith.constant 0 : i32
        %add3A_362 = arith.addi %mul3A_117, %add3A_361 : i32
        %get3A_363 = arith.constant 7 : i32
        %get3A_364 = arith.index_cast %get3A_363 : i32 to index
        %get3A_365 = arith.index_cast %add3A_362 : i32 to index
        %get3A_366 = tpu.vector_load %arg4[%get3A_364, %get3A_365] {strides = array<i32>} : memref<16x2048xf32, #tpu.memory_space<vmem>>, vector<1x16xf32>,
        %get3A_367 = vector.shape_cast %get3A_366 : vector<1x16xf32> to vector<16xf32>
        %add3A_368 = arith.addf %add3A_336, %get3A_367 : vector<16xf32>
        %add3A_369 = arith.constant 16 : i32
        %add3A_370 = arith.addi %mul3A_117, %add3A_369 : i32
        %get3A_371 = arith.constant 7 : i32
        %get3A_372 = arith.index_cast %get3A_371 : i32 to index
        %get3A_373 = arith.index_cast %add3A_370 : i32 to index
        %get3A_374 = tpu.vector_load %arg4[%get3A_372, %get3A_373] {strides = array<i32>} : memref<16x2048xf32, #tpu.memory_space<vmem>>, vector<1x16xf32>,
        %get3A_375 = vector.shape_cast %get3A_374 : vector<1x16xf32> to vector<16xf32>
        %add3A_376 = arith.addf %add3A_344, %get3A_375 : vector<16xf32>
        %add3A_377 = arith.constant 32 : i32
        %add3A_378 = arith.addi %mul3A_117, %add3A_377 : i32
        %get3A_379 = arith.constant 7 : i32
        %get3A_380 = arith.index_cast %get3A_379 : i32 to index
        %get3A_381 = arith.index_cast %add3A_378 : i32 to index
        %get3A_382 = tpu.vector_load %arg4[%get3A_380, %get3A_381] {strides = array<i32>} : memref<16x2048xf32, #tpu.memory_space<vmem>>, vector<1x16xf32>,
        %get3A_383 = vector.shape_cast %get3A_382 : vector<1x16xf32> to vector<16xf32>
        %add3A_384 = arith.addf %add3A_352, %get3A_383 : vector<16xf32>
        %add3A_385 = arith.constant 48 : i32
        %add3A_386 = arith.addi %mul3A_117, %add3A_385 : i32
        %get3A_387 = arith.constant 7 : i32
        %get3A_388 = arith.index_cast %get3A_387 : i32 to index
        %get3A_389 = arith.index_cast %add3A_386 : i32 to index
        %get3A_390 = tpu.vector_load %arg4[%get3A_388, %get3A_389] {strides = array<i32>} : memref<16x2048xf32, #tpu.memory_space<vmem>>, vector<1x16xf32>,
        %get3A_391 = vector.shape_cast %get3A_390 : vector<1x16xf32> to vector<16xf32>
        %add3A_392 = arith.addf %add3A_360, %get3A_391 : vector<16xf32>
        %add3A_393 = arith.constant 0 : i32
        %add3A_394 = arith.addi %mul3A_117, %add3A_393 : i32
        %get3A_395 = arith.constant 8 : i32
        %get3A_396 = arith.index_cast %get3A_395 : i32 to index
        %get3A_397 = arith.index_cast %add3A_394 : i32 to index
        %get3A_398 = tpu.vector_load %arg4[%get3A_396, %get3A_397] {strides = array<i32>} : memref<16x2048xf32, #tpu.memory_space<vmem>>, vector<1x16xf32>,
        %get3A_399 = vector.shape_cast %get3A_398 : vector<1x16xf32> to vector<16xf32>
        %add3A_400 = arith.addf %add3A_368, %get3A_399 : vector<16xf32>
        %add3A_401 = arith.constant 16 : i32
        %add3A_402 = arith.addi %mul3A_117, %add3A_401 : i32
        %get3A_403 = arith.constant 8 : i32
        %get3A_404 = arith.index_cast %get3A_403 : i32 to index
        %get3A_405 = arith.index_cast %add3A_402 : i32 to index
        %get3A_406 = tpu.vector_load %arg4[%get3A_404, %get3A_405] {strides = array<i32>} : memref<16x2048xf32, #tpu.memory_space<vmem>>, vector<1x16xf32>,
        %get3A_407 = vector.shape_cast %get3A_406 : vector<1x16xf32> to vector<16xf32>
        %add3A_408 = arith.addf %add3A_376, %get3A_407 : vector<16xf32>
        %add3A_409 = arith.constant 32 : i32
        %add3A_410 = arith.addi %mul3A_117, %add3A_409 : i32
        %get3A_411 = arith.constant 8 : i32
        %get3A_412 = arith.index_cast %get3A_411 : i32 to index
        %get3A_413 = arith.index_cast %add3A_410 : i32 to index
        %get3A_414 = tpu.vector_load %arg4[%get3A_412, %get3A_413] {strides = array<i32>} : memref<16x2048xf32, #tpu.memory_space<vmem>>, vector<1x16xf32>,
        %get3A_415 = vector.shape_cast %get3A_414 : vector<1x16xf32> to vector<16xf32>
        %add3A_416 = arith.addf %add3A_384, %get3A_415 : vector<16xf32>
        %add3A_417 = arith.constant 48 : i32
        %add3A_418 = arith.addi %mul3A_117, %add3A_417 : i32
        %get3A_419 = arith.constant 8 : i32
        %get3A_420 = arith.index_cast %get3A_419 : i32 to index
        %get3A_421 = arith.index_cast %add3A_418 : i32 to index
        %get3A_422 = tpu.vector_load %arg4[%get3A_420, %get3A_421] {strides = array<i32>} : memref<16x2048xf32, #tpu.memory_space<vmem>>, vector<1x16xf32>,
        %get3A_423 = vector.shape_cast %get3A_422 : vector<1x16xf32> to vector<16xf32>
        %add3A_424 = arith.addf %add3A_392, %get3A_423 : vector<16xf32>
        %add3A_425 = arith.constant 0 : i32
        %add3A_426 = arith.addi %mul3A_117, %add3A_425 : i32
        %get3A_427 = arith.constant 9 : i32
        %get3A_428 = arith.index_cast %get3A_427 : i32 to index
        %get3A_429 = arith.index_cast %add3A_426 : i32 to index
        %get3A_430 = tpu.vector_load %arg4[%get3A_428, %get3A_429] {strides = array<i32>} : memref<16x2048xf32, #tpu.memory_space<vmem>>, vector<1x16xf32>,
        %get3A_431 = vector.shape_cast %get3A_430 : vector<1x16xf32> to vector<16xf32>
        %add3A_432 = arith.addf %add3A_400, %get3A_431 : vector<16xf32>
        %add3A_433 = arith.constant 16 : i32
        %add3A_434 = arith.addi %mul3A_117, %add3A_433 : i32
        %get3A_435 = arith.constant 9 : i32
        %get3A_436 = arith.index_cast %get3A_435 : i32 to index
        %get3A_437 = arith.index_cast %add3A_434 : i32 to index
        %get3A_438 = tpu.vector_load %arg4[%get3A_436, %get3A_437] {strides = array<i32>} : memref<16x2048xf32, #tpu.memory_space<vmem>>, vector<1x16xf32>,
        %get3A_439 = vector.shape_cast %get3A_438 : vector<1x16xf32> to vector<16xf32>
        %add3A_440 = arith.addf %add3A_408, %get3A_439 : vector<16xf32>
        %add3A_441 = arith.constant 32 : i32
        %add3A_442 = arith.addi %mul3A_117, %add3A_441 : i32
        %get3A_443 = arith.constant 9 : i32
        %get3A_444 = arith.index_cast %get3A_443 : i32 to index
        %get3A_445 = arith.index_cast %add3A_442 : i32 to index
        %get3A_446 = tpu.vector_load %arg4[%get3A_444, %get3A_445] {strides = array<i32>} : memref<16x2048xf32, #tpu.memory_space<vmem>>, vector<1x16xf32>,
        %get3A_447 = vector.shape_cast %get3A_446 : vector<1x16xf32> to vector<16xf32>
        %add3A_448 = arith.addf %add3A_416, %get3A_447 : vector<16xf32>
        %add3A_449 = arith.constant 48 : i32
        %add3A_450 = arith.addi %mul3A_117, %add3A_449 : i32
        %get3A_451 = arith.constant 9 : i32
        %get3A_452 = arith.index_cast %get3A_451 : i32 to index
        %get3A_453 = arith.index_cast %add3A_450 : i32 to index
        %get3A_454 = tpu.vector_load %arg4[%get3A_452, %get3A_453] {strides = array<i32>} : memref<16x2048xf32, #tpu.memory_space<vmem>>, vector<1x16xf32>,
        %get3A_455 = vector.shape_cast %get3A_454 : vector<1x16xf32> to vector<16xf32>
        %add3A_456 = arith.addf %add3A_424, %get3A_455 : vector<16xf32>
        %add3A_457 = arith.constant 0 : i32
        %add3A_458 = arith.addi %mul3A_117, %add3A_457 : i32
        %get3A_459 = arith.constant 10 : i32
        %get3A_460 = arith.index_cast %get3A_459 : i32 to index
        %get3A_461 = arith.index_cast %add3A_458 : i32 to index
        %get3A_462 = tpu.vector_load %arg4[%get3A_460, %get3A_461] {strides = array<i32>} : memref<16x2048xf32, #tpu.memory_space<vmem>>, vector<1x16xf32>,
        %get3A_463 = vector.shape_cast %get3A_462 : vector<1x16xf32> to vector<16xf32>
        %add3A_464 = arith.addf %add3A_432, %get3A_463 : vector<16xf32>
        %add3A_465 = arith.constant 16 : i32
        %add3A_466 = arith.addi %mul3A_117, %add3A_465 : i32
        %get3A_467 = arith.constant 10 : i32
        %get3A_468 = arith.index_cast %get3A_467 : i32 to index
        %get3A_469 = arith.index_cast %add3A_466 : i32 to index
        %get3A_470 = tpu.vector_load %arg4[%get3A_468, %get3A_469] {strides = array<i32>} : memref<16x2048xf32, #tpu.memory_space<vmem>>, vector<1x16xf32>,
        %get3A_471 = vector.shape_cast %get3A_470 : vector<1x16xf32> to vector<16xf32>
        %add3A_472 = arith.addf %add3A_440, %get3A_471 : vector<16xf32>
        %add3A_473 = arith.constant 32 : i32
        %add3A_474 = arith.addi %mul3A_117, %add3A_473 : i32
        %get3A_475 = arith.constant 10 : i32
        %get3A_476 = arith.index_cast %get3A_475 : i32 to index
        %get3A_477 = arith.index_cast %add3A_474 : i32 to index
        %get3A_478 = tpu.vector_load %arg4[%get3A_476, %get3A_477] {strides = array<i32>} : memref<16x2048xf32, #tpu.memory_space<vmem>>, vector<1x16xf32>,
        %get3A_479 = vector.shape_cast %get3A_478 : vector<1x16xf32> to vector<16xf32>
        %add3A_480 = arith.addf %add3A_448, %get3A_479 : vector<16xf32>
        %add3A_481 = arith.constant 48 : i32
        %add3A_482 = arith.addi %mul3A_117, %add3A_481 : i32
        %get3A_483 = arith.constant 10 : i32
        %get3A_484 = arith.index_cast %get3A_483 : i32 to index
        %get3A_485 = arith.index_cast %add3A_482 : i32 to index
        %get3A_486 = tpu.vector_load %arg4[%get3A_484, %get3A_485] {strides = array<i32>} : memref<16x2048xf32, #tpu.memory_space<vmem>>, vector<1x16xf32>,
        %get3A_487 = vector.shape_cast %get3A_486 : vector<1x16xf32> to vector<16xf32>
        %add3A_488 = arith.addf %add3A_456, %get3A_487 : vector<16xf32>
        %add3A_489 = arith.constant 0 : i32
        %add3A_490 = arith.addi %mul3A_117, %add3A_489 : i32
        %get3A_491 = arith.constant 11 : i32
        %get3A_492 = arith.index_cast %get3A_491 : i32 to index
        %get3A_493 = arith.index_cast %add3A_490 : i32 to index
        %get3A_494 = tpu.vector_load %arg4[%get3A_492, %get3A_493] {strides = array<i32>} : memref<16x2048xf32, #tpu.memory_space<vmem>>, vector<1x16xf32>,
        %get3A_495 = vector.shape_cast %get3A_494 : vector<1x16xf32> to vector<16xf32>
        %add3A_496 = arith.addf %add3A_464, %get3A_495 : vector<16xf32>
        %add3A_497 = arith.constant 16 : i32
        %add3A_498 = arith.addi %mul3A_117, %add3A_497 : i32
        %get3A_499 = arith.constant 11 : i32
        %get3A_500 = arith.index_cast %get3A_499 : i32 to index
        %get3A_501 = arith.index_cast %add3A_498 : i32 to index
        %get3A_502 = tpu.vector_load %arg4[%get3A_500, %get3A_501] {strides = array<i32>} : memref<16x2048xf32, #tpu.memory_space<vmem>>, vector<1x16xf32>,
        %get3A_503 = vector.shape_cast %get3A_502 : vector<1x16xf32> to vector<16xf32>
        %add3A_504 = arith.addf %add3A_472, %get3A_503 : vector<16xf32>
        %add3A_505 = arith.constant 32 : i32
        %add3A_506 = arith.addi %mul3A_117, %add3A_505 : i32
        %get3A_507 = arith.constant 11 : i32
        %get3A_508 = arith.index_cast %get3A_507 : i32 to index
        %get3A_509 = arith.index_cast %add3A_506 : i32 to index
        %get3A_510 = tpu.vector_load %arg4[%get3A_508, %get3A_509] {strides = array<i32>} : memref<16x2048xf32, #tpu.memory_space<vmem>>, vector<1x16xf32>,
        %get3A_511 = vector.shape_cast %get3A_510 : vector<1x16xf32> to vector<16xf32>
        %add3A_512 = arith.addf %add3A_480, %get3A_511 : vector<16xf32>
        %add3A_513 = arith.constant 48 : i32
        %add3A_514 = arith.addi %mul3A_117, %add3A_513 : i32
        %get3A_515 = arith.constant 11 : i32
        %get3A_516 = arith.index_cast %get3A_515 : i32 to index
        %get3A_517 = arith.index_cast %add3A_514 : i32 to index
        %get3A_518 = tpu.vector_load %arg4[%get3A_516, %get3A_517] {strides = array<i32>} : memref<16x2048xf32, #tpu.memory_space<vmem>>, vector<1x16xf32>,
        %get3A_519 = vector.shape_cast %get3A_518 : vector<1x16xf32> to vector<16xf32>
        %add3A_520 = arith.addf %add3A_488, %get3A_519 : vector<16xf32>
        %add3A_521 = arith.constant 0 : i32
        %add3A_522 = arith.addi %mul3A_117, %add3A_521 : i32
        %get3A_523 = arith.constant 12 : i32
        %get3A_524 = arith.index_cast %get3A_523 : i32 to index
        %get3A_525 = arith.index_cast %add3A_522 : i32 to index
        %get3A_526 = tpu.vector_load %arg4[%get3A_524, %get3A_525] {strides = array<i32>} : memref<16x2048xf32, #tpu.memory_space<vmem>>, vector<1x16xf32>,
        %get3A_527 = vector.shape_cast %get3A_526 : vector<1x16xf32> to vector<16xf32>
        %add3A_528 = arith.addf %add3A_496, %get3A_527 : vector<16xf32>
        %add3A_529 = arith.constant 16 : i32
        %add3A_530 = arith.addi %mul3A_117, %add3A_529 : i32
        %get3A_531 = arith.constant 12 : i32
        %get3A_532 = arith.index_cast %get3A_531 : i32 to index
        %get3A_533 = arith.index_cast %add3A_530 : i32 to index
        %get3A_534 = tpu.vector_load %arg4[%get3A_532, %get3A_533] {strides = array<i32>} : memref<16x2048xf32, #tpu.memory_space<vmem>>, vector<1x16xf32>,
        %get3A_535 = vector.shape_cast %get3A_534 : vector<1x16xf32> to vector<16xf32>
        %add3A_536 = arith.addf %add3A_504, %get3A_535 : vector<16xf32>
        %add3A_537 = arith.constant 32 : i32
        %add3A_538 = arith.addi %mul3A_117, %add3A_537 : i32
        %get3A_539 = arith.constant 12 : i32
        %get3A_540 = arith.index_cast %get3A_539 : i32 to index
        %get3A_541 = arith.index_cast %add3A_538 : i32 to index
        %get3A_542 = tpu.vector_load %arg4[%get3A_540, %get3A_541] {strides = array<i32>} : memref<16x2048xf32, #tpu.memory_space<vmem>>, vector<1x16xf32>,
        %get3A_543 = vector.shape_cast %get3A_542 : vector<1x16xf32> to vector<16xf32>
        %add3A_544 = arith.addf %add3A_512, %get3A_543 : vector<16xf32>
        %add3A_545 = arith.constant 48 : i32
        %add3A_546 = arith.addi %mul3A_117, %add3A_545 : i32
        %get3A_547 = arith.constant 12 : i32
        %get3A_548 = arith.index_cast %get3A_547 : i32 to index
        %get3A_549 = arith.index_cast %add3A_546 : i32 to index
        %get3A_550 = tpu.vector_load %arg4[%get3A_548, %get3A_549] {strides = array<i32>} : memref<16x2048xf32, #tpu.memory_space<vmem>>, vector<1x16xf32>,
        %get3A_551 = vector.shape_cast %get3A_550 : vector<1x16xf32> to vector<16xf32>
        %add3A_552 = arith.addf %add3A_520, %get3A_551 : vector<16xf32>
        %add3A_553 = arith.constant 0 : i32
        %add3A_554 = arith.addi %mul3A_117, %add3A_553 : i32
        %get3A_555 = arith.constant 13 : i32
        %get3A_556 = arith.index_cast %get3A_555 : i32 to index
        %get3A_557 = arith.index_cast %add3A_554 : i32 to index
        %get3A_558 = tpu.vector_load %arg4[%get3A_556, %get3A_557] {strides = array<i32>} : memref<16x2048xf32, #tpu.memory_space<vmem>>, vector<1x16xf32>,
        %get3A_559 = vector.shape_cast %get3A_558 : vector<1x16xf32> to vector<16xf32>
        %add3A_560 = arith.addf %add3A_528, %get3A_559 : vector<16xf32>
        %add3A_561 = arith.constant 16 : i32
        %add3A_562 = arith.addi %mul3A_117, %add3A_561 : i32
        %get3A_563 = arith.constant 13 : i32
        %get3A_564 = arith.index_cast %get3A_563 : i32 to index
        %get3A_565 = arith.index_cast %add3A_562 : i32 to index
        %get3A_566 = tpu.vector_load %arg4[%get3A_564, %get3A_565] {strides = array<i32>} : memref<16x2048xf32, #tpu.memory_space<vmem>>, vector<1x16xf32>,
        %get3A_567 = vector.shape_cast %get3A_566 : vector<1x16xf32> to vector<16xf32>
        %add3A_568 = arith.addf %add3A_536, %get3A_567 : vector<16xf32>
        %add3A_569 = arith.constant 32 : i32
        %add3A_570 = arith.addi %mul3A_117, %add3A_569 : i32
        %get3A_571 = arith.constant 13 : i32
        %get3A_572 = arith.index_cast %get3A_571 : i32 to index
        %get3A_573 = arith.index_cast %add3A_570 : i32 to index
        %get3A_574 = tpu.vector_load %arg4[%get3A_572, %get3A_573] {strides = array<i32>} : memref<16x2048xf32, #tpu.memory_space<vmem>>, vector<1x16xf32>,
        %get3A_575 = vector.shape_cast %get3A_574 : vector<1x16xf32> to vector<16xf32>
        %add3A_576 = arith.addf %add3A_544, %get3A_575 : vector<16xf32>
        %add3A_577 = arith.constant 48 : i32
        %add3A_578 = arith.addi %mul3A_117, %add3A_577 : i32
        %get3A_579 = arith.constant 13 : i32
        %get3A_580 = arith.index_cast %get3A_579 : i32 to index
        %get3A_581 = arith.index_cast %add3A_578 : i32 to index
        %get3A_582 = tpu.vector_load %arg4[%get3A_580, %get3A_581] {strides = array<i32>} : memref<16x2048xf32, #tpu.memory_space<vmem>>, vector<1x16xf32>,
        %get3A_583 = vector.shape_cast %get3A_582 : vector<1x16xf32> to vector<16xf32>
        %add3A_584 = arith.addf %add3A_552, %get3A_583 : vector<16xf32>
        %add3A_585 = arith.constant 0 : i32
        %add3A_586 = arith.addi %mul3A_117, %add3A_585 : i32
        %get3A_587 = arith.constant 14 : i32
        %get3A_588 = arith.index_cast %get3A_587 : i32 to index
        %get3A_589 = arith.index_cast %add3A_586 : i32 to index
        %get3A_590 = tpu.vector_load %arg4[%get3A_588, %get3A_589] {strides = array<i32>} : memref<16x2048xf32, #tpu.memory_space<vmem>>, vector<1x16xf32>,
        %get3A_591 = vector.shape_cast %get3A_590 : vector<1x16xf32> to vector<16xf32>
        %add3A_592 = arith.addf %add3A_560, %get3A_591 : vector<16xf32>
        %add3A_593 = arith.constant 16 : i32
        %add3A_594 = arith.addi %mul3A_117, %add3A_593 : i32
        %get3A_595 = arith.constant 14 : i32
        %get3A_596 = arith.index_cast %get3A_595 : i32 to index
        %get3A_597 = arith.index_cast %add3A_594 : i32 to index
        %get3A_598 = tpu.vector_load %arg4[%get3A_596, %get3A_597] {strides = array<i32>} : memref<16x2048xf32, #tpu.memory_space<vmem>>, vector<1x16xf32>,
        %get3A_599 = vector.shape_cast %get3A_598 : vector<1x16xf32> to vector<16xf32>
        %add3A_600 = arith.addf %add3A_568, %get3A_599 : vector<16xf32>
        %add3A_601 = arith.constant 32 : i32
        %add3A_602 = arith.addi %mul3A_117, %add3A_601 : i32
        %get3A_603 = arith.constant 14 : i32
        %get3A_604 = arith.index_cast %get3A_603 : i32 to index
        %get3A_605 = arith.index_cast %add3A_602 : i32 to index
        %get3A_606 = tpu.vector_load %arg4[%get3A_604, %get3A_605] {strides = array<i32>} : memref<16x2048xf32, #tpu.memory_space<vmem>>, vector<1x16xf32>,
        %get3A_607 = vector.shape_cast %get3A_606 : vector<1x16xf32> to vector<16xf32>
        %add3A_608 = arith.addf %add3A_576, %get3A_607 : vector<16xf32>
        %add3A_609 = arith.constant 48 : i32
        %add3A_610 = arith.addi %mul3A_117, %add3A_609 : i32
        %get3A_611 = arith.constant 14 : i32
        %get3A_612 = arith.index_cast %get3A_611 : i32 to index
        %get3A_613 = arith.index_cast %add3A_610 : i32 to index
        %get3A_614 = tpu.vector_load %arg4[%get3A_612, %get3A_613] {strides = array<i32>} : memref<16x2048xf32, #tpu.memory_space<vmem>>, vector<1x16xf32>,
        %get3A_615 = vector.shape_cast %get3A_614 : vector<1x16xf32> to vector<16xf32>
        %add3A_616 = arith.addf %add3A_584, %get3A_615 : vector<16xf32>
        %add3A_617 = arith.constant 0 : i32
        %add3A_618 = arith.addi %mul3A_117, %add3A_617 : i32
        %get3A_619 = arith.constant 15 : i32
        %get3A_620 = arith.index_cast %get3A_619 : i32 to index
        %get3A_621 = arith.index_cast %add3A_618 : i32 to index
        %get3A_622 = tpu.vector_load %arg4[%get3A_620, %get3A_621] {strides = array<i32>} : memref<16x2048xf32, #tpu.memory_space<vmem>>, vector<1x16xf32>,
        %get3A_623 = vector.shape_cast %get3A_622 : vector<1x16xf32> to vector<16xf32>
        %add3A_624 = arith.addf %add3A_592, %get3A_623 : vector<16xf32>
        %add3A_625 = arith.constant 16 : i32
        %add3A_626 = arith.addi %mul3A_117, %add3A_625 : i32
        %get3A_627 = arith.constant 15 : i32
        %get3A_628 = arith.index_cast %get3A_627 : i32 to index
        %get3A_629 = arith.index_cast %add3A_626 : i32 to index
        %get3A_630 = tpu.vector_load %arg4[%get3A_628, %get3A_629] {strides = array<i32>} : memref<16x2048xf32, #tpu.memory_space<vmem>>, vector<1x16xf32>,
        %get3A_631 = vector.shape_cast %get3A_630 : vector<1x16xf32> to vector<16xf32>
        %add3A_632 = arith.addf %add3A_600, %get3A_631 : vector<16xf32>
        %add3A_633 = arith.constant 32 : i32
        %add3A_634 = arith.addi %mul3A_117, %add3A_633 : i32
        %get3A_635 = arith.constant 15 : i32
        %get3A_636 = arith.index_cast %get3A_635 : i32 to index
        %get3A_637 = arith.index_cast %add3A_634 : i32 to index
        %get3A_638 = tpu.vector_load %arg4[%get3A_636, %get3A_637] {strides = array<i32>} : memref<16x2048xf32, #tpu.memory_space<vmem>>, vector<1x16xf32>,
        %get3A_639 = vector.shape_cast %get3A_638 : vector<1x16xf32> to vector<16xf32>
        %add3A_640 = arith.addf %add3A_608, %get3A_639 : vector<16xf32>
        %add3A_641 = arith.constant 48 : i32
        %add3A_642 = arith.addi %mul3A_117, %add3A_641 : i32
        %get3A_643 = arith.constant 15 : i32
        %get3A_644 = arith.index_cast %get3A_643 : i32 to index
        %get3A_645 = arith.index_cast %add3A_642 : i32 to index
        %get3A_646 = tpu.vector_load %arg4[%get3A_644, %get3A_645] {strides = array<i32>} : memref<16x2048xf32, #tpu.memory_space<vmem>>, vector<1x16xf32>,
        %get3A_647 = vector.shape_cast %get3A_646 : vector<1x16xf32> to vector<16xf32>
        %add3A_648 = arith.addf %add3A_616, %get3A_647 : vector<16xf32>
        %add3A_649 = arith.constant 0 : i32
        %add3A_650 = arith.addi %mul3A_117, %add3A_649 : i32
        %swap3A = arith.index_cast %add3A_650 : i32 to index
        %swap3A_651 = tpu.vector_load %arg6[%swap3A] {strides = array<i32>} : memref<2048xf32, #tpu.memory_space<vmem>>, vector<16xf32>,
        %swap3A_652 = vector.shape_cast %swap3A_651 : vector<16xf32> to vector<16xf32>
        %swap3A_653 = vector.shape_cast %add3A_624 : vector<16xf32> to vector<16xf32>
        tpu.vector_store %arg6[%swap3A], %swap3A_653 {strides = array<i32>} : memref<2048xf32, #tpu.memory_space<vmem>>, vector<16xf32>,
        %add3A_654 = arith.constant 16 : i32
        %add3A_655 = arith.addi %mul3A_117, %add3A_654 : i32
        %swap3A_656 = arith.index_cast %add3A_655 : i32 to index
        %swap3A_657 = tpu.vector_load %arg6[%swap3A_656] {strides = array<i32>} : memref<2048xf32, #tpu.memory_space<vmem>>, vector<16xf32>,
        %swap3A_658 = vector.shape_cast %swap3A_657 : vector<16xf32> to vector<16xf32>
        %swap3A_659 = vector.shape_cast %add3A_632 : vector<16xf32> to vector<16xf32>
        tpu.vector_store %arg6[%swap3A_656], %swap3A_659 {strides = array<i32>} : memref<2048xf32, #tpu.memory_space<vmem>>, vector<16xf32>,
        %add3A_660 = arith.constant 32 : i32
        %add3A_661 = arith.addi %mul3A_117, %add3A_660 : i32
        %swap3A_662 = arith.index_cast %add3A_661 : i32 to index
        %swap3A_663 = tpu.vector_load %arg6[%swap3A_662] {strides = array<i32>} : memref<2048xf32, #tpu.memory_space<vmem>>, vector<16xf32>,
        %swap3A_664 = vector.shape_cast %swap3A_663 : vector<16xf32> to vector<16xf32>
        %swap3A_665 = vector.shape_cast %add3A_640 : vector<16xf32> to vector<16xf32>
        tpu.vector_store %arg6[%swap3A_662], %swap3A_665 {strides = array<i32>} : memref<2048xf32, #tpu.memory_space<vmem>>, vector<16xf32>,
        %add3A_666 = arith.constant 48 : i32
        %add3A_667 = arith.addi %mul3A_117, %add3A_666 : i32
        %swap3A_668 = arith.index_cast %add3A_667 : i32 to index
        %swap3A_669 = tpu.vector_load %arg6[%swap3A_668] {strides = array<i32>} : memref<2048xf32, #tpu.memory_space<vmem>>, vector<16xf32>,
        %swap3A_670 = vector.shape_cast %swap3A_669 : vector<16xf32> to vector<16xf32>
        %swap3A_671 = vector.shape_cast %add3A_648 : vector<16xf32> to vector<16xf32>
        tpu.vector_store %arg6[%swap3A_668], %swap3A_671 {strides = array<i32>} : memref<2048xf32, #tpu.memory_space<vmem>>, vector<16xf32>,
      }
      %scan3A_83 = arith.constant 32 : i32
      %add3A_84 = arith.constant 2 : i32
      %add3A_85 = arith.addi %add3A_69, %add3A_84 : i32
      %lt3A_86 = arith.constant 8 : i32
      %lt3A_87 = arith.cmpi slt, %add3A_85, %lt3A_86 : i32
      %convert_element_type3A = arith.extui %lt3A_87 : i1 to i32
      %cond3A = arith.constant 0 : i32
      %cond3A_88 = arith.cmpi ne, %convert_element_type3A, %cond3A : i32
      scf.if %cond3A_88 {
        %add3A_115 = arith.constant 2 : i32
        %add3A_116 = arith.addi %add3A_69, %add3A_115 : i32
        %mul3A_117 = arith.constant 16 : i32
        %mul3A_118 = arith.muli %add3A_116, %mul3A_117 : i32
        %add3A_119 = arith.addi %add3A_34, %mul3A_118 : i32
        %dma_start3A_120 = arith.constant 0 : i32
        %dma_start3A_121 = tpu.memref_slice %arg2[%add3A_30, %add3A_119, %dma_start3A_120] : memref<4x4096x2048xf32, #tpu.memory_space<hbm>> -> memref<1x16x2048xf32, #tpu.memory_space<hbm>>
        %dma_start3A_122 = tpu.memref_squeeze %dma_start3A_121 : memref<1x16x2048xf32, #tpu.memory_space<hbm>> -> memref<16x2048xf32, #tpu.memory_space<hbm>>
        %dma_start3A_123 = arith.constant 0 : i32
        %dma_start3A_124 = tpu.memref_slice %arg2[%add3A_30, %add3A_119, %dma_start3A_123] : memref<4x4096x2048xf32, #tpu.memory_space<hbm>> -> memref<1x16x2048xf32, #tpu.memory_space<hbm>>
        %dma_start3A_125 = tpu.memref_squeeze %dma_start3A_124 : memref<1x16x2048xf32, #tpu.memory_space<hbm>> -> memref<16x2048xf32, #tpu.memory_space<hbm>>
        tpu.enqueue_dma source(%dma_start3A_125 : memref<16x2048xf32, #tpu.memory_space<hbm>>) target(%arg4 : memref<16x2048xf32, #tpu.memory_space<vmem>>) target_semaphore(%arg7 : memref<!tpu.dma_semaphore, #tpu.memory_space<semaphore_mem>>)
      } else {
      }
      %mul3A_89 = arith.constant 2 : i32
      %mul3A_90 = arith.muli %mul3A_89, %scan3A_65 : i32
      %add3A_91 = arith.constant 1 : i32
      %add3A_92 = arith.addi %mul3A_90, %add3A_91 : i32
      %dma_wait3A_93 = arith.constant 0 : i32
      %dma_wait3A_94 = arith.constant 0 : i32
      %dma_wait3A_95 = arith.constant 0 : i32
      %dma_wait3A_96 = tpu.memref_slice %arg2[%dma_wait3A_93, %dma_wait3A_94, %dma_wait3A_95] : memref<4x4096x2048xf32, #tpu.memory_space<hbm>> -> memref<1x16x2048xf32, #tpu.memory_space<hbm>>
      %dma_wait3A_97 = tpu.memref_squeeze %dma_wait3A_96 : memref<1x16x2048xf32, #tpu.memory_space<hbm>> -> memref<16x2048xf32, #tpu.memory_space<hbm>>
      %dma_wait3A_98 = arith.constant 0 : i32
      %dma_wait3A_99 = arith.constant 0 : i32
      %dma_wait3A_100 = tpu.memref_slice %arg2[%dma_wait3A_93, %dma_wait3A_98, %dma_wait3A_99] : memref<4x4096x2048xf32, #tpu.memory_space<hbm>> -> memref<1x16x2048xf32, #tpu.memory_space<hbm>>
      %dma_wait3A_101 = tpu.memref_squeeze %dma_wait3A_100 : memref<1x16x2048xf32, #tpu.memory_space<hbm>> -> memref<16x2048xf32, #tpu.memory_space<hbm>>
      tpu.wait_dma2 semaphore(%arg8 : memref<!tpu.dma_semaphore, #tpu.memory_space<semaphore_mem>>) src(%dma_wait3A_101 : memref<16x2048xf32, #tpu.memory_space<hbm>>) dst(%arg5 : memref<16x2048xf32, #tpu.memory_space<vmem>>)
      %scan3A_102 = arith.constant 0 : i32
      %scan3A_103 = arith.constant 0 : i32
      %scan3A_104 = arith.constant 32 : i32
      %scan3A_105 = arith.addi %scan3A_103, %scan3A_104 : i32
      %scan3A_106 = arith.constant 1 : i32
      scf.for %scan3A_115 = %scan3A_103 to %scan3A_105 step %scan3A_106  : i32 {
        %mul3A_116 = arith.constant 64 : i32
        %mul3A_117 = arith.muli %scan3A_115, %mul3A_116 : i32
        %add3A_118 = arith.constant 0 : i32
        %add3A_119 = arith.addi %mul3A_117, %add3A_118 : i32
        %get3A = arith.index_cast %add3A_119 : i32 to index
        %get3A_120 = tpu.vector_load %arg6[%get3A] {strides = array<i32>} : memref<2048xf32, #tpu.memory_space<vmem>>, vector<16xf32>,
        %get3A_121 = vector.shape_cast %get3A_120 : vector<16xf32> to vector<16xf32>
        %add3A_122 = arith.constant 16 : i32
        %add3A_123 = arith.addi %mul3A_117, %add3A_122 : i32
        %get3A_124 = arith.index_cast %add3A_123 : i32 to index
        %get3A_125 = tpu.vector_load %arg6[%get3A_124] {strides = array<i32>} : memref<2048xf32, #tpu.memory_space<vmem>>, vector<16xf32>,
        %get3A_126 = vector.shape_cast %get3A_125 : vector<16xf32> to vector<16xf32>
        %add3A_127 = arith.constant 32 : i32
        %add3A_128 = arith.addi %mul3A_117, %add3A_127 : i32
        %get3A_129 = arith.index_cast %add3A_128 : i32 to index
        %get3A_130 = tpu.vector_load %arg6[%get3A_129] {strides = array<i32>} : memref<2048xf32, #tpu.memory_space<vmem>>, vector<16xf32>,
        %get3A_131 = vector.shape_cast %get3A_130 : vector<16xf32> to vector<16xf32>
        %add3A_132 = arith.constant 48 : i32
        %add3A_133 = arith.addi %mul3A_117, %add3A_132 : i32
        %get3A_134 = arith.index_cast %add3A_133 : i32 to index
        %get3A_135 = tpu.vector_load %arg6[%get3A_134] {strides = array<i32>} : memref<2048xf32, #tpu.memory_space<vmem>>, vector<16xf32>,
        %get3A_136 = vector.shape_cast %get3A_135 : vector<16xf32> to vector<16xf32>
        %add3A_137 = arith.constant 0 : i32
        %add3A_138 = arith.addi %mul3A_117, %add3A_137 : i32
        %get3A_139 = arith.constant 0 : i32
        %get3A_140 = arith.index_cast %get3A_139 : i32 to index
        %get3A_141 = arith.index_cast %add3A_138 : i32 to index
        %get3A_142 = tpu.vector_load %arg5[%get3A_140, %get3A_141] {strides = array<i32>} : memref<16x2048xf32, #tpu.memory_space<vmem>>, vector<1x16xf32>,
        %get3A_143 = vector.shape_cast %get3A_142 : vector<1x16xf32> to vector<16xf32>
        %add3A_144 = arith.addf %get3A_121, %get3A_143 : vector<16xf32>
        %add3A_145 = arith.constant 16 : i32
        %add3A_146 = arith.addi %mul3A_117, %add3A_145 : i32
        %get3A_147 = arith.constant 0 : i32
        %get3A_148 = arith.index_cast %get3A_147 : i32 to index
        %get3A_149 = arith.index_cast %add3A_146 : i32 to index
        %get3A_150 = tpu.vector_load %arg5[%get3A_148, %get3A_149] {strides = array<i32>} : memref<16x2048xf32, #tpu.memory_space<vmem>>, vector<1x16xf32>,
        %get3A_151 = vector.shape_cast %get3A_150 : vector<1x16xf32> to vector<16xf32>
        %add3A_152 = arith.addf %get3A_126, %get3A_151 : vector<16xf32>
        %add3A_153 = arith.constant 32 : i32
        %add3A_154 = arith.addi %mul3A_117, %add3A_153 : i32
        %get3A_155 = arith.constant 0 : i32
        %get3A_156 = arith.index_cast %get3A_155 : i32 to index
        %get3A_157 = arith.index_cast %add3A_154 : i32 to index
        %get3A_158 = tpu.vector_load %arg5[%get3A_156, %get3A_157] {strides = array<i32>} : memref<16x2048xf32, #tpu.memory_space<vmem>>, vector<1x16xf32>,
        %get3A_159 = vector.shape_cast %get3A_158 : vector<1x16xf32> to vector<16xf32>
        %add3A_160 = arith.addf %get3A_131, %get3A_159 : vector<16xf32>
        %add3A_161 = arith.constant 48 : i32
        %add3A_162 = arith.addi %mul3A_117, %add3A_161 : i32
        %get3A_163 = arith.constant 0 : i32
        %get3A_164 = arith.index_cast %get3A_163 : i32 to index
        %get3A_165 = arith.index_cast %add3A_162 : i32 to index
        %get3A_166 = tpu.vector_load %arg5[%get3A_164, %get3A_165] {strides = array<i32>} : memref<16x2048xf32, #tpu.memory_space<vmem>>, vector<1x16xf32>,
        %get3A_167 = vector.shape_cast %get3A_166 : vector<1x16xf32> to vector<16xf32>
        %add3A_168 = arith.addf %get3A_136, %get3A_167 : vector<16xf32>
        %add3A_169 = arith.constant 0 : i32
        %add3A_170 = arith.addi %mul3A_117, %add3A_169 : i32
        %get3A_171 = arith.constant 1 : i32
        %get3A_172 = arith.index_cast %get3A_171 : i32 to index
        %get3A_173 = arith.index_cast %add3A_170 : i32 to index
        %get3A_174 = tpu.vector_load %arg5[%get3A_172, %get3A_173] {strides = array<i32>} : memref<16x2048xf32, #tpu.memory_space<vmem>>, vector<1x16xf32>,
        %get3A_175 = vector.shape_cast %get3A_174 : vector<1x16xf32> to vector<16xf32>
        %add3A_176 = arith.addf %add3A_144, %get3A_175 : vector<16xf32>
        %add3A_177 = arith.constant 16 : i32
        %add3A_178 = arith.addi %mul3A_117, %add3A_177 : i32
        %get3A_179 = arith.constant 1 : i32
        %get3A_180 = arith.index_cast %get3A_179 : i32 to index
        %get3A_181 = arith.index_cast %add3A_178 : i32 to index
        %get3A_182 = tpu.vector_load %arg5[%get3A_180, %get3A_181] {strides = array<i32>} : memref<16x2048xf32, #tpu.memory_space<vmem>>, vector<1x16xf32>,
        %get3A_183 = vector.shape_cast %get3A_182 : vector<1x16xf32> to vector<16xf32>
        %add3A_184 = arith.addf %add3A_152, %get3A_183 : vector<16xf32>
        %add3A_185 = arith.constant 32 : i32
        %add3A_186 = arith.addi %mul3A_117, %add3A_185 : i32
        %get3A_187 = arith.constant 1 : i32
        %get3A_188 = arith.index_cast %get3A_187 : i32 to index
        %get3A_189 = arith.index_cast %add3A_186 : i32 to index
        %get3A_190 = tpu.vector_load %arg5[%get3A_188, %get3A_189] {strides = array<i32>} : memref<16x2048xf32, #tpu.memory_space<vmem>>, vector<1x16xf32>,
        %get3A_191 = vector.shape_cast %get3A_190 : vector<1x16xf32> to vector<16xf32>
        %add3A_192 = arith.addf %add3A_160, %get3A_191 : vector<16xf32>
        %add3A_193 = arith.constant 48 : i32
        %add3A_194 = arith.addi %mul3A_117, %add3A_193 : i32
        %get3A_195 = arith.constant 1 : i32
        %get3A_196 = arith.index_cast %get3A_195 : i32 to index
        %get3A_197 = arith.index_cast %add3A_194 : i32 to index
        %get3A_198 = tpu.vector_load %arg5[%get3A_196, %get3A_197] {strides = array<i32>} : memref<16x2048xf32, #tpu.memory_space<vmem>>, vector<1x16xf32>,
        %get3A_199 = vector.shape_cast %get3A_198 : vector<1x16xf32> to vector<16xf32>
        %add3A_200 = arith.addf %add3A_168, %get3A_199 : vector<16xf32>
        %add3A_201 = arith.constant 0 : i32
        %add3A_202 = arith.addi %mul3A_117, %add3A_201 : i32
        %get3A_203 = arith.constant 2 : i32
        %get3A_204 = arith.index_cast %get3A_203 : i32 to index
        %get3A_205 = arith.index_cast %add3A_202 : i32 to index
        %get3A_206 = tpu.vector_load %arg5[%get3A_204, %get3A_205] {strides = array<i32>} : memref<16x2048xf32, #tpu.memory_space<vmem>>, vector<1x16xf32>,
        %get3A_207 = vector.shape_cast %get3A_206 : vector<1x16xf32> to vector<16xf32>
        %add3A_208 = arith.addf %add3A_176, %get3A_207 : vector<16xf32>
        %add3A_209 = arith.constant 16 : i32
        %add3A_210 = arith.addi %mul3A_117, %add3A_209 : i32
        %get3A_211 = arith.constant 2 : i32
        %get3A_212 = arith.index_cast %get3A_211 : i32 to index
        %get3A_213 = arith.index_cast %add3A_210 : i32 to index
        %get3A_214 = tpu.vector_load %arg5[%get3A_212, %get3A_213] {strides = array<i32>} : memref<16x2048xf32, #tpu.memory_space<vmem>>, vector<1x16xf32>,
        %get3A_215 = vector.shape_cast %get3A_214 : vector<1x16xf32> to vector<16xf32>
        %add3A_216 = arith.addf %add3A_184, %get3A_215 : vector<16xf32>
        %add3A_217 = arith.constant 32 : i32
        %add3A_218 = arith.addi %mul3A_117, %add3A_217 : i32
        %get3A_219 = arith.constant 2 : i32
        %get3A_220 = arith.index_cast %get3A_219 : i32 to index
        %get3A_221 = arith.index_cast %add3A_218 : i32 to index
        %get3A_222 = tpu.vector_load %arg5[%get3A_220, %get3A_221] {strides = array<i32>} : memref<16x2048xf32, #tpu.memory_space<vmem>>, vector<1x16xf32>,
        %get3A_223 = vector.shape_cast %get3A_222 : vector<1x16xf32> to vector<16xf32>
        %add3A_224 = arith.addf %add3A_192, %get3A_223 : vector<16xf32>
        %add3A_225 = arith.constant 48 : i32
        %add3A_226 = arith.addi %mul3A_117, %add3A_225 : i32
        %get3A_227 = arith.constant 2 : i32
        %get3A_228 = arith.index_cast %get3A_227 : i32 to index
        %get3A_229 = arith.index_cast %add3A_226 : i32 to index
        %get3A_230 = tpu.vector_load %arg5[%get3A_228, %get3A_229] {strides = array<i32>} : memref<16x2048xf32, #tpu.memory_space<vmem>>, vector<1x16xf32>,
        %get3A_231 = vector.shape_cast %get3A_230 : vector<1x16xf32> to vector<16xf32>
        %add3A_232 = arith.addf %add3A_200, %get3A_231 : vector<16xf32>
        %add3A_233 = arith.constant 0 : i32
        %add3A_234 = arith.addi %mul3A_117, %add3A_233 : i32
        %get3A_235 = arith.constant 3 : i32
        %get3A_236 = arith.index_cast %get3A_235 : i32 to index
        %get3A_237 = arith.index_cast %add3A_234 : i32 to index
        %get3A_238 = tpu.vector_load %arg5[%get3A_236, %get3A_237] {strides = array<i32>} : memref<16x2048xf32, #tpu.memory_space<vmem>>, vector<1x16xf32>,
        %get3A_239 = vector.shape_cast %get3A_238 : vector<1x16xf32> to vector<16xf32>
        %add3A_240 = arith.addf %add3A_208, %get3A_239 : vector<16xf32>
        %add3A_241 = arith.constant 16 : i32
        %add3A_242 = arith.addi %mul3A_117, %add3A_241 : i32
        %get3A_243 = arith.constant 3 : i32
        %get3A_244 = arith.index_cast %get3A_243 : i32 to index
        %get3A_245 = arith.index_cast %add3A_242 : i32 to index
        %get3A_246 = tpu.vector_load %arg5[%get3A_244, %get3A_245] {strides = array<i32>} : memref<16x2048xf32, #tpu.memory_space<vmem>>, vector<1x16xf32>,
        %get3A_247 = vector.shape_cast %get3A_246 : vector<1x16xf32> to vector<16xf32>
        %add3A_248 = arith.addf %add3A_216, %get3A_247 : vector<16xf32>
        %add3A_249 = arith.constant 32 : i32
        %add3A_250 = arith.addi %mul3A_117, %add3A_249 : i32
        %get3A_251 = arith.constant 3 : i32
        %get3A_252 = arith.index_cast %get3A_251 : i32 to index
        %get3A_253 = arith.index_cast %add3A_250 : i32 to index
        %get3A_254 = tpu.vector_load %arg5[%get3A_252, %get3A_253] {strides = array<i32>} : memref<16x2048xf32, #tpu.memory_space<vmem>>, vector<1x16xf32>,
        %get3A_255 = vector.shape_cast %get3A_254 : vector<1x16xf32> to vector<16xf32>
        %add3A_256 = arith.addf %add3A_224, %get3A_255 : vector<16xf32>
        %add3A_257 = arith.constant 48 : i32
        %add3A_258 = arith.addi %mul3A_117, %add3A_257 : i32
        %get3A_259 = arith.constant 3 : i32
        %get3A_260 = arith.index_cast %get3A_259 : i32 to index
        %get3A_261 = arith.index_cast %add3A_258 : i32 to index
        %get3A_262 = tpu.vector_load %arg5[%get3A_260, %get3A_261] {strides = array<i32>} : memref<16x2048xf32, #tpu.memory_space<vmem>>, vector<1x16xf32>,
        %get3A_263 = vector.shape_cast %get3A_262 : vector<1x16xf32> to vector<16xf32>
        %add3A_264 = arith.addf %add3A_232, %get3A_263 : vector<16xf32>
        %add3A_265 = arith.constant 0 : i32
        %add3A_266 = arith.addi %mul3A_117, %add3A_265 : i32
        %get3A_267 = arith.constant 4 : i32
        %get3A_268 = arith.index_cast %get3A_267 : i32 to index
        %get3A_269 = arith.index_cast %add3A_266 : i32 to index
        %get3A_270 = tpu.vector_load %arg5[%get3A_268, %get3A_269] {strides = array<i32>} : memref<16x2048xf32, #tpu.memory_space<vmem>>, vector<1x16xf32>,
        %get3A_271 = vector.shape_cast %get3A_270 : vector<1x16xf32> to vector<16xf32>
        %add3A_272 = arith.addf %add3A_240, %get3A_271 : vector<16xf32>
        %add3A_273 = arith.constant 16 : i32
        %add3A_274 = arith.addi %mul3A_117, %add3A_273 : i32
        %get3A_275 = arith.constant 4 : i32
        %get3A_276 = arith.index_cast %get3A_275 : i32 to index
        %get3A_277 = arith.index_cast %add3A_274 : i32 to index
        %get3A_278 = tpu.vector_load %arg5[%get3A_276, %get3A_277] {strides = array<i32>} : memref<16x2048xf32, #tpu.memory_space<vmem>>, vector<1x16xf32>,
        %get3A_279 = vector.shape_cast %get3A_278 : vector<1x16xf32> to vector<16xf32>
        %add3A_280 = arith.addf %add3A_248, %get3A_279 : vector<16xf32>
        %add3A_281 = arith.constant 32 : i32
        %add3A_282 = arith.addi %mul3A_117, %add3A_281 : i32
        %get3A_283 = arith.constant 4 : i32
        %get3A_284 = arith.index_cast %get3A_283 : i32 to index
        %get3A_285 = arith.index_cast %add3A_282 : i32 to index
        %get3A_286 = tpu.vector_load %arg5[%get3A_284, %get3A_285] {strides = array<i32>} : memref<16x2048xf32, #tpu.memory_space<vmem>>, vector<1x16xf32>,
        %get3A_287 = vector.shape_cast %get3A_286 : vector<1x16xf32> to vector<16xf32>
        %add3A_288 = arith.addf %add3A_256, %get3A_287 : vector<16xf32>
        %add3A_289 = arith.constant 48 : i32
        %add3A_290 = arith.addi %mul3A_117, %add3A_289 : i32
        %get3A_291 = arith.constant 4 : i32
        %get3A_292 = arith.index_cast %get3A_291 : i32 to index
        %get3A_293 = arith.index_cast %add3A_290 : i32 to index
        %get3A_294 = tpu.vector_load %arg5[%get3A_292, %get3A_293] {strides = array<i32>} : memref<16x2048xf32, #tpu.memory_space<vmem>>, vector<1x16xf32>,
        %get3A_295 = vector.shape_cast %get3A_294 : vector<1x16xf32> to vector<16xf32>
        %add3A_296 = arith.addf %add3A_264, %get3A_295 : vector<16xf32>
        %add3A_297 = arith.constant 0 : i32
        %add3A_298 = arith.addi %mul3A_117, %add3A_297 : i32
        %get3A_299 = arith.constant 5 : i32
        %get3A_300 = arith.index_cast %get3A_299 : i32 to index
        %get3A_301 = arith.index_cast %add3A_298 : i32 to index
        %get3A_302 = tpu.vector_load %arg5[%get3A_300, %get3A_301] {strides = array<i32>} : memref<16x2048xf32, #tpu.memory_space<vmem>>, vector<1x16xf32>,
        %get3A_303 = vector.shape_cast %get3A_302 : vector<1x16xf32> to vector<16xf32>
        %add3A_304 = arith.addf %add3A_272, %get3A_303 : vector<16xf32>
        %add3A_305 = arith.constant 16 : i32
        %add3A_306 = arith.addi %mul3A_117, %add3A_305 : i32
        %get3A_307 = arith.constant 5 : i32
        %get3A_308 = arith.index_cast %get3A_307 : i32 to index
        %get3A_309 = arith.index_cast %add3A_306 : i32 to index
        %get3A_310 = tpu.vector_load %arg5[%get3A_308, %get3A_309] {strides = array<i32>} : memref<16x2048xf32, #tpu.memory_space<vmem>>, vector<1x16xf32>,
        %get3A_311 = vector.shape_cast %get3A_310 : vector<1x16xf32> to vector<16xf32>
        %add3A_312 = arith.addf %add3A_280, %get3A_311 : vector<16xf32>
        %add3A_313 = arith.constant 32 : i32
        %add3A_314 = arith.addi %mul3A_117, %add3A_313 : i32
        %get3A_315 = arith.constant 5 : i32
        %get3A_316 = arith.index_cast %get3A_315 : i32 to index
        %get3A_317 = arith.index_cast %add3A_314 : i32 to index
        %get3A_318 = tpu.vector_load %arg5[%get3A_316, %get3A_317] {strides = array<i32>} : memref<16x2048xf32, #tpu.memory_space<vmem>>, vector<1x16xf32>,
        %get3A_319 = vector.shape_cast %get3A_318 : vector<1x16xf32> to vector<16xf32>
        %add3A_320 = arith.addf %add3A_288, %get3A_319 : vector<16xf32>
        %add3A_321 = arith.constant 48 : i32
        %add3A_322 = arith.addi %mul3A_117, %add3A_321 : i32
        %get3A_323 = arith.constant 5 : i32
        %get3A_324 = arith.index_cast %get3A_323 : i32 to index
        %get3A_325 = arith.index_cast %add3A_322 : i32 to index
        %get3A_326 = tpu.vector_load %arg5[%get3A_324, %get3A_325] {strides = array<i32>} : memref<16x2048xf32, #tpu.memory_space<vmem>>, vector<1x16xf32>,
        %get3A_327 = vector.shape_cast %get3A_326 : vector<1x16xf32> to vector<16xf32>
        %add3A_328 = arith.addf %add3A_296, %get3A_327 : vector<16xf32>
        %add3A_329 = arith.constant 0 : i32
        %add3A_330 = arith.addi %mul3A_117, %add3A_329 : i32
        %get3A_331 = arith.constant 6 : i32
        %get3A_332 = arith.index_cast %get3A_331 : i32 to index
        %get3A_333 = arith.index_cast %add3A_330 : i32 to index
        %get3A_334 = tpu.vector_load %arg5[%get3A_332, %get3A_333] {strides = array<i32>} : memref<16x2048xf32, #tpu.memory_space<vmem>>, vector<1x16xf32>,
        %get3A_335 = vector.shape_cast %get3A_334 : vector<1x16xf32> to vector<16xf32>
        %add3A_336 = arith.addf %add3A_304, %get3A_335 : vector<16xf32>
        %add3A_337 = arith.constant 16 : i32
        %add3A_338 = arith.addi %mul3A_117, %add3A_337 : i32
        %get3A_339 = arith.constant 6 : i32
        %get3A_340 = arith.index_cast %get3A_339 : i32 to index
        %get3A_341 = arith.index_cast %add3A_338 : i32 to index
        %get3A_342 = tpu.vector_load %arg5[%get3A_340, %get3A_341] {strides = array<i32>} : memref<16x2048xf32, #tpu.memory_space<vmem>>, vector<1x16xf32>,
        %get3A_343 = vector.shape_cast %get3A_342 : vector<1x16xf32> to vector<16xf32>
        %add3A_344 = arith.addf %add3A_312, %get3A_343 : vector<16xf32>
        %add3A_345 = arith.constant 32 : i32
        %add3A_346 = arith.addi %mul3A_117, %add3A_345 : i32
        %get3A_347 = arith.constant 6 : i32
        %get3A_348 = arith.index_cast %get3A_347 : i32 to index
        %get3A_349 = arith.index_cast %add3A_346 : i32 to index
        %get3A_350 = tpu.vector_load %arg5[%get3A_348, %get3A_349] {strides = array<i32>} : memref<16x2048xf32, #tpu.memory_space<vmem>>, vector<1x16xf32>,
        %get3A_351 = vector.shape_cast %get3A_350 : vector<1x16xf32> to vector<16xf32>
        %add3A_352 = arith.addf %add3A_320, %get3A_351 : vector<16xf32>
        %add3A_353 = arith.constant 48 : i32
        %add3A_354 = arith.addi %mul3A_117, %add3A_353 : i32
        %get3A_355 = arith.constant 6 : i32
        %get3A_356 = arith.index_cast %get3A_355 : i32 to index
        %get3A_357 = arith.index_cast %add3A_354 : i32 to index
        %get3A_358 = tpu.vector_load %arg5[%get3A_356, %get3A_357] {strides = array<i32>} : memref<16x2048xf32, #tpu.memory_space<vmem>>, vector<1x16xf32>,
        %get3A_359 = vector.shape_cast %get3A_358 : vector<1x16xf32> to vector<16xf32>
        %add3A_360 = arith.addf %add3A_328, %get3A_359 : vector<16xf32>
        %add3A_361 = arith.constant 0 : i32
        %add3A_362 = arith.addi %mul3A_117, %add3A_361 : i32
        %get3A_363 = arith.constant 7 : i32
        %get3A_364 = arith.index_cast %get3A_363 : i32 to index
        %get3A_365 = arith.index_cast %add3A_362 : i32 to index
        %get3A_366 = tpu.vector_load %arg5[%get3A_364, %get3A_365] {strides = array<i32>} : memref<16x2048xf32, #tpu.memory_space<vmem>>, vector<1x16xf32>,
        %get3A_367 = vector.shape_cast %get3A_366 : vector<1x16xf32> to vector<16xf32>
        %add3A_368 = arith.addf %add3A_336, %get3A_367 : vector<16xf32>
        %add3A_369 = arith.constant 16 : i32
        %add3A_370 = arith.addi %mul3A_117, %add3A_369 : i32
        %get3A_371 = arith.constant 7 : i32
        %get3A_372 = arith.index_cast %get3A_371 : i32 to index
        %get3A_373 = arith.index_cast %add3A_370 : i32 to index
        %get3A_374 = tpu.vector_load %arg5[%get3A_372, %get3A_373] {strides = array<i32>} : memref<16x2048xf32, #tpu.memory_space<vmem>>, vector<1x16xf32>,
        %get3A_375 = vector.shape_cast %get3A_374 : vector<1x16xf32> to vector<16xf32>
        %add3A_376 = arith.addf %add3A_344, %get3A_375 : vector<16xf32>
        %add3A_377 = arith.constant 32 : i32
        %add3A_378 = arith.addi %mul3A_117, %add3A_377 : i32
        %get3A_379 = arith.constant 7 : i32
        %get3A_380 = arith.index_cast %get3A_379 : i32 to index
        %get3A_381 = arith.index_cast %add3A_378 : i32 to index
        %get3A_382 = tpu.vector_load %arg5[%get3A_380, %get3A_381] {strides = array<i32>} : memref<16x2048xf32, #tpu.memory_space<vmem>>, vector<1x16xf32>,
        %get3A_383 = vector.shape_cast %get3A_382 : vector<1x16xf32> to vector<16xf32>
        %add3A_384 = arith.addf %add3A_352, %get3A_383 : vector<16xf32>
        %add3A_385 = arith.constant 48 : i32
        %add3A_386 = arith.addi %mul3A_117, %add3A_385 : i32
        %get3A_387 = arith.constant 7 : i32
        %get3A_388 = arith.index_cast %get3A_387 : i32 to index
        %get3A_389 = arith.index_cast %add3A_386 : i32 to index
        %get3A_390 = tpu.vector_load %arg5[%get3A_388, %get3A_389] {strides = array<i32>} : memref<16x2048xf32, #tpu.memory_space<vmem>>, vector<1x16xf32>,
        %get3A_391 = vector.shape_cast %get3A_390 : vector<1x16xf32> to vector<16xf32>
        %add3A_392 = arith.addf %add3A_360, %get3A_391 : vector<16xf32>
        %add3A_393 = arith.constant 0 : i32
        %add3A_394 = arith.addi %mul3A_117, %add3A_393 : i32
        %get3A_395 = arith.constant 8 : i32
        %get3A_396 = arith.index_cast %get3A_395 : i32 to index
        %get3A_397 = arith.index_cast %add3A_394 : i32 to index
        %get3A_398 = tpu.vector_load %arg5[%get3A_396, %get3A_397] {strides = array<i32>} : memref<16x2048xf32, #tpu.memory_space<vmem>>, vector<1x16xf32>,
        %get3A_399 = vector.shape_cast %get3A_398 : vector<1x16xf32> to vector<16xf32>
        %add3A_400 = arith.addf %add3A_368, %get3A_399 : vector<16xf32>
        %add3A_401 = arith.constant 16 : i32
        %add3A_402 = arith.addi %mul3A_117, %add3A_401 : i32
        %get3A_403 = arith.constant 8 : i32
        %get3A_404 = arith.index_cast %get3A_403 : i32 to index
        %get3A_405 = arith.index_cast %add3A_402 : i32 to index
        %get3A_406 = tpu.vector_load %arg5[%get3A_404, %get3A_405] {strides = array<i32>} : memref<16x2048xf32, #tpu.memory_space<vmem>>, vector<1x16xf32>,
        %get3A_407 = vector.shape_cast %get3A_406 : vector<1x16xf32> to vector<16xf32>
        %add3A_408 = arith.addf %add3A_376, %get3A_407 : vector<16xf32>
        %add3A_409 = arith.constant 32 : i32
        %add3A_410 = arith.addi %mul3A_117, %add3A_409 : i32
        %get3A_411 = arith.constant 8 : i32
        %get3A_412 = arith.index_cast %get3A_411 : i32 to index
        %get3A_413 = arith.index_cast %add3A_410 : i32 to index
        %get3A_414 = tpu.vector_load %arg5[%get3A_412, %get3A_413] {strides = array<i32>} : memref<16x2048xf32, #tpu.memory_space<vmem>>, vector<1x16xf32>,
        %get3A_415 = vector.shape_cast %get3A_414 : vector<1x16xf32> to vector<16xf32>
        %add3A_416 = arith.addf %add3A_384, %get3A_415 : vector<16xf32>
        %add3A_417 = arith.constant 48 : i32
        %add3A_418 = arith.addi %mul3A_117, %add3A_417 : i32
        %get3A_419 = arith.constant 8 : i32
        %get3A_420 = arith.index_cast %get3A_419 : i32 to index
        %get3A_421 = arith.index_cast %add3A_418 : i32 to index
        %get3A_422 = tpu.vector_load %arg5[%get3A_420, %get3A_421] {strides = array<i32>} : memref<16x2048xf32, #tpu.memory_space<vmem>>, vector<1x16xf32>,
        %get3A_423 = vector.shape_cast %get3A_422 : vector<1x16xf32> to vector<16xf32>
        %add3A_424 = arith.addf %add3A_392, %get3A_423 : vector<16xf32>
        %add3A_425 = arith.constant 0 : i32
        %add3A_426 = arith.addi %mul3A_117, %add3A_425 : i32
        %get3A_427 = arith.constant 9 : i32
        %get3A_428 = arith.index_cast %get3A_427 : i32 to index
        %get3A_429 = arith.index_cast %add3A_426 : i32 to index
        %get3A_430 = tpu.vector_load %arg5[%get3A_428, %get3A_429] {strides = array<i32>} : memref<16x2048xf32, #tpu.memory_space<vmem>>, vector<1x16xf32>,
        %get3A_431 = vector.shape_cast %get3A_430 : vector<1x16xf32> to vector<16xf32>
        %add3A_432 = arith.addf %add3A_400, %get3A_431 : vector<16xf32>
        %add3A_433 = arith.constant 16 : i32
        %add3A_434 = arith.addi %mul3A_117, %add3A_433 : i32
        %get3A_435 = arith.constant 9 : i32
        %get3A_436 = arith.index_cast %get3A_435 : i32 to index
        %get3A_437 = arith.index_cast %add3A_434 : i32 to index
        %get3A_438 = tpu.vector_load %arg5[%get3A_436, %get3A_437] {strides = array<i32>} : memref<16x2048xf32, #tpu.memory_space<vmem>>, vector<1x16xf32>,
        %get3A_439 = vector.shape_cast %get3A_438 : vector<1x16xf32> to vector<16xf32>
        %add3A_440 = arith.addf %add3A_408, %get3A_439 : vector<16xf32>
        %add3A_441 = arith.constant 32 : i32
        %add3A_442 = arith.addi %mul3A_117, %add3A_441 : i32
        %get3A_443 = arith.constant 9 : i32
        %get3A_444 = arith.index_cast %get3A_443 : i32 to index
        %get3A_445 = arith.index_cast %add3A_442 : i32 to index
        %get3A_446 = tpu.vector_load %arg5[%get3A_444, %get3A_445] {strides = array<i32>} : memref<16x2048xf32, #tpu.memory_space<vmem>>, vector<1x16xf32>,
        %get3A_447 = vector.shape_cast %get3A_446 : vector<1x16xf32> to vector<16xf32>
        %add3A_448 = arith.addf %add3A_416, %get3A_447 : vector<16xf32>
        %add3A_449 = arith.constant 48 : i32
        %add3A_450 = arith.addi %mul3A_117, %add3A_449 : i32
        %get3A_451 = arith.constant 9 : i32
        %get3A_452 = arith.index_cast %get3A_451 : i32 to index
        %get3A_453 = arith.index_cast %add3A_450 : i32 to index
        %get3A_454 = tpu.vector_load %arg5[%get3A_452, %get3A_453] {strides = array<i32>} : memref<16x2048xf32, #tpu.memory_space<vmem>>, vector<1x16xf32>,
        %get3A_455 = vector.shape_cast %get3A_454 : vector<1x16xf32> to vector<16xf32>
        %add3A_456 = arith.addf %add3A_424, %get3A_455 : vector<16xf32>
        %add3A_457 = arith.constant 0 : i32
        %add3A_458 = arith.addi %mul3A_117, %add3A_457 : i32
        %get3A_459 = arith.constant 10 : i32
        %get3A_460 = arith.index_cast %get3A_459 : i32 to index
        %get3A_461 = arith.index_cast %add3A_458 : i32 to index
        %get3A_462 = tpu.vector_load %arg5[%get3A_460, %get3A_461] {strides = array<i32>} : memref<16x2048xf32, #tpu.memory_space<vmem>>, vector<1x16xf32>,
        %get3A_463 = vector.shape_cast %get3A_462 : vector<1x16xf32> to vector<16xf32>
        %add3A_464 = arith.addf %add3A_432, %get3A_463 : vector<16xf32>
        %add3A_465 = arith.constant 16 : i32
        %add3A_466 = arith.addi %mul3A_117, %add3A_465 : i32
        %get3A_467 = arith.constant 10 : i32
        %get3A_468 = arith.index_cast %get3A_467 : i32 to index
        %get3A_469 = arith.index_cast %add3A_466 : i32 to index
        %get3A_470 = tpu.vector_load %arg5[%get3A_468, %get3A_469] {strides = array<i32>} : memref<16x2048xf32, #tpu.memory_space<vmem>>, vector<1x16xf32>,
        %get3A_471 = vector.shape_cast %get3A_470 : vector<1x16xf32> to vector<16xf32>
        %add3A_472 = arith.addf %add3A_440, %get3A_471 : vector<16xf32>
        %add3A_473 = arith.constant 32 : i32
        %add3A_474 = arith.addi %mul3A_117, %add3A_473 : i32
        %get3A_475 = arith.constant 10 : i32
        %get3A_476 = arith.index_cast %get3A_475 : i32 to index
        %get3A_477 = arith.index_cast %add3A_474 : i32 to index
        %get3A_478 = tpu.vector_load %arg5[%get3A_476, %get3A_477] {strides = array<i32>} : memref<16x2048xf32, #tpu.memory_space<vmem>>, vector<1x16xf32>,
        %get3A_479 = vector.shape_cast %get3A_478 : vector<1x16xf32> to vector<16xf32>
        %add3A_480 = arith.addf %add3A_448, %get3A_479 : vector<16xf32>
        %add3A_481 = arith.constant 48 : i32
        %add3A_482 = arith.addi %mul3A_117, %add3A_481 : i32
        %get3A_483 = arith.constant 10 : i32
        %get3A_484 = arith.index_cast %get3A_483 : i32 to index
        %get3A_485 = arith.index_cast %add3A_482 : i32 to index
        %get3A_486 = tpu.vector_load %arg5[%get3A_484, %get3A_485] {strides = array<i32>} : memref<16x2048xf32, #tpu.memory_space<vmem>>, vector<1x16xf32>,
        %get3A_487 = vector.shape_cast %get3A_486 : vector<1x16xf32> to vector<16xf32>
        %add3A_488 = arith.addf %add3A_456, %get3A_487 : vector<16xf32>
        %add3A_489 = arith.constant 0 : i32
        %add3A_490 = arith.addi %mul3A_117, %add3A_489 : i32
        %get3A_491 = arith.constant 11 : i32
        %get3A_492 = arith.index_cast %get3A_491 : i32 to index
        %get3A_493 = arith.index_cast %add3A_490 : i32 to index
        %get3A_494 = tpu.vector_load %arg5[%get3A_492, %get3A_493] {strides = array<i32>} : memref<16x2048xf32, #tpu.memory_space<vmem>>, vector<1x16xf32>,
        %get3A_495 = vector.shape_cast %get3A_494 : vector<1x16xf32> to vector<16xf32>
        %add3A_496 = arith.addf %add3A_464, %get3A_495 : vector<16xf32>
        %add3A_497 = arith.constant 16 : i32
        %add3A_498 = arith.addi %mul3A_117, %add3A_497 : i32
        %get3A_499 = arith.constant 11 : i32
        %get3A_500 = arith.index_cast %get3A_499 : i32 to index
        %get3A_501 = arith.index_cast %add3A_498 : i32 to index
        %get3A_502 = tpu.vector_load %arg5[%get3A_500, %get3A_501] {strides = array<i32>} : memref<16x2048xf32, #tpu.memory_space<vmem>>, vector<1x16xf32>,
        %get3A_503 = vector.shape_cast %get3A_502 : vector<1x16xf32> to vector<16xf32>
        %add3A_504 = arith.addf %add3A_472, %get3A_503 : vector<16xf32>
        %add3A_505 = arith.constant 32 : i32
        %add3A_506 = arith.addi %mul3A_117, %add3A_505 : i32
        %get3A_507 = arith.constant 11 : i32
        %get3A_508 = arith.index_cast %get3A_507 : i32 to index
        %get3A_509 = arith.index_cast %add3A_506 : i32 to index
        %get3A_510 = tpu.vector_load %arg5[%get3A_508, %get3A_509] {strides = array<i32>} : memref<16x2048xf32, #tpu.memory_space<vmem>>, vector<1x16xf32>,
        %get3A_511 = vector.shape_cast %get3A_510 : vector<1x16xf32> to vector<16xf32>
        %add3A_512 = arith.addf %add3A_480, %get3A_511 : vector<16xf32>
        %add3A_513 = arith.constant 48 : i32
        %add3A_514 = arith.addi %mul3A_117, %add3A_513 : i32
        %get3A_515 = arith.constant 11 : i32
        %get3A_516 = arith.index_cast %get3A_515 : i32 to index
        %get3A_517 = arith.index_cast %add3A_514 : i32 to index
        %get3A_518 = tpu.vector_load %arg5[%get3A_516, %get3A_517] {strides = array<i32>} : memref<16x2048xf32, #tpu.memory_space<vmem>>, vector<1x16xf32>,
        %get3A_519 = vector.shape_cast %get3A_518 : vector<1x16xf32> to vector<16xf32>
        %add3A_520 = arith.addf %add3A_488, %get3A_519 : vector<16xf32>
        %add3A_521 = arith.constant 0 : i32
        %add3A_522 = arith.addi %mul3A_117, %add3A_521 : i32
        %get3A_523 = arith.constant 12 : i32
        %get3A_524 = arith.index_cast %get3A_523 : i32 to index
        %get3A_525 = arith.index_cast %add3A_522 : i32 to index
        %get3A_526 = tpu.vector_load %arg5[%get3A_524, %get3A_525] {strides = array<i32>} : memref<16x2048xf32, #tpu.memory_space<vmem>>, vector<1x16xf32>,
        %get3A_527 = vector.shape_cast %get3A_526 : vector<1x16xf32> to vector<16xf32>
        %add3A_528 = arith.addf %add3A_496, %get3A_527 : vector<16xf32>
        %add3A_529 = arith.constant 16 : i32
        %add3A_530 = arith.addi %mul3A_117, %add3A_529 : i32
        %get3A_531 = arith.constant 12 : i32
        %get3A_532 = arith.index_cast %get3A_531 : i32 to index
        %get3A_533 = arith.index_cast %add3A_530 : i32 to index
        %get3A_534 = tpu.vector_load %arg5[%get3A_532, %get3A_533] {strides = array<i32>} : memref<16x2048xf32, #tpu.memory_space<vmem>>, vector<1x16xf32>,
        %get3A_535 = vector.shape_cast %get3A_534 : vector<1x16xf32> to vector<16xf32>
        %add3A_536 = arith.addf %add3A_504, %get3A_535 : vector<16xf32>
        %add3A_537 = arith.constant 32 : i32
        %add3A_538 = arith.addi %mul3A_117, %add3A_537 : i32
        %get3A_539 = arith.constant 12 : i32
        %get3A_540 = arith.index_cast %get3A_539 : i32 to index
        %get3A_541 = arith.index_cast %add3A_538 : i32 to index
        %get3A_542 = tpu.vector_load %arg5[%get3A_540, %get3A_541] {strides = array<i32>} : memref<16x2048xf32, #tpu.memory_space<vmem>>, vector<1x16xf32>,
        %get3A_543 = vector.shape_cast %get3A_542 : vector<1x16xf32> to vector<16xf32>
        %add3A_544 = arith.addf %add3A_512, %get3A_543 : vector<16xf32>
        %add3A_545 = arith.constant 48 : i32
        %add3A_546 = arith.addi %mul3A_117, %add3A_545 : i32
        %get3A_547 = arith.constant 12 : i32
        %get3A_548 = arith.index_cast %get3A_547 : i32 to index
        %get3A_549 = arith.index_cast %add3A_546 : i32 to index
        %get3A_550 = tpu.vector_load %arg5[%get3A_548, %get3A_549] {strides = array<i32>} : memref<16x2048xf32, #tpu.memory_space<vmem>>, vector<1x16xf32>,
        %get3A_551 = vector.shape_cast %get3A_550 : vector<1x16xf32> to vector<16xf32>
        %add3A_552 = arith.addf %add3A_520, %get3A_551 : vector<16xf32>
        %add3A_553 = arith.constant 0 : i32
        %add3A_554 = arith.addi %mul3A_117, %add3A_553 : i32
        %get3A_555 = arith.constant 13 : i32
        %get3A_556 = arith.index_cast %get3A_555 : i32 to index
        %get3A_557 = arith.index_cast %add3A_554 : i32 to index
        %get3A_558 = tpu.vector_load %arg5[%get3A_556, %get3A_557] {strides = array<i32>} : memref<16x2048xf32, #tpu.memory_space<vmem>>, vector<1x16xf32>,
        %get3A_559 = vector.shape_cast %get3A_558 : vector<1x16xf32> to vector<16xf32>
        %add3A_560 = arith.addf %add3A_528, %get3A_559 : vector<16xf32>
        %add3A_561 = arith.constant 16 : i32
        %add3A_562 = arith.addi %mul3A_117, %add3A_561 : i32
        %get3A_563 = arith.constant 13 : i32
        %get3A_564 = arith.index_cast %get3A_563 : i32 to index
        %get3A_565 = arith.index_cast %add3A_562 : i32 to index
        %get3A_566 = tpu.vector_load %arg5[%get3A_564, %get3A_565] {strides = array<i32>} : memref<16x2048xf32, #tpu.memory_space<vmem>>, vector<1x16xf32>,
        %get3A_567 = vector.shape_cast %get3A_566 : vector<1x16xf32> to vector<16xf32>
        %add3A_568 = arith.addf %add3A_536, %get3A_567 : vector<16xf32>
        %add3A_569 = arith.constant 32 : i32
        %add3A_570 = arith.addi %mul3A_117, %add3A_569 : i32
        %get3A_571 = arith.constant 13 : i32
        %get3A_572 = arith.index_cast %get3A_571 : i32 to index
        %get3A_573 = arith.index_cast %add3A_570 : i32 to index
        %get3A_574 = tpu.vector_load %arg5[%get3A_572, %get3A_573] {strides = array<i32>} : memref<16x2048xf32, #tpu.memory_space<vmem>>, vector<1x16xf32>,
        %get3A_575 = vector.shape_cast %get3A_574 : vector<1x16xf32> to vector<16xf32>
        %add3A_576 = arith.addf %add3A_544, %get3A_575 : vector<16xf32>
        %add3A_577 = arith.constant 48 : i32
        %add3A_578 = arith.addi %mul3A_117, %add3A_577 : i32
        %get3A_579 = arith.constant 13 : i32
        %get3A_580 = arith.index_cast %get3A_579 : i32 to index
        %get3A_581 = arith.index_cast %add3A_578 : i32 to index
        %get3A_582 = tpu.vector_load %arg5[%get3A_580, %get3A_581] {strides = array<i32>} : memref<16x2048xf32, #tpu.memory_space<vmem>>, vector<1x16xf32>,
        %get3A_583 = vector.shape_cast %get3A_582 : vector<1x16xf32> to vector<16xf32>
        %add3A_584 = arith.addf %add3A_552, %get3A_583 : vector<16xf32>
        %add3A_585 = arith.constant 0 : i32
        %add3A_586 = arith.addi %mul3A_117, %add3A_585 : i32
        %get3A_587 = arith.constant 14 : i32
        %get3A_588 = arith.index_cast %get3A_587 : i32 to index
        %get3A_589 = arith.index_cast %add3A_586 : i32 to index
        %get3A_590 = tpu.vector_load %arg5[%get3A_588, %get3A_589] {strides = array<i32>} : memref<16x2048xf32, #tpu.memory_space<vmem>>, vector<1x16xf32>,
        %get3A_591 = vector.shape_cast %get3A_590 : vector<1x16xf32> to vector<16xf32>
        %add3A_592 = arith.addf %add3A_560, %get3A_591 : vector<16xf32>
        %add3A_593 = arith.constant 16 : i32
        %add3A_594 = arith.addi %mul3A_117, %add3A_593 : i32
        %get3A_595 = arith.constant 14 : i32
        %get3A_596 = arith.index_cast %get3A_595 : i32 to index
        %get3A_597 = arith.index_cast %add3A_594 : i32 to index
        %get3A_598 = tpu.vector_load %arg5[%get3A_596, %get3A_597] {strides = array<i32>} : memref<16x2048xf32, #tpu.memory_space<vmem>>, vector<1x16xf32>,
        %get3A_599 = vector.shape_cast %get3A_598 : vector<1x16xf32> to vector<16xf32>
        %add3A_600 = arith.addf %add3A_568, %get3A_599 : vector<16xf32>
        %add3A_601 = arith.constant 32 : i32
        %add3A_602 = arith.addi %mul3A_117, %add3A_601 : i32
        %get3A_603 = arith.constant 14 : i32
        %get3A_604 = arith.index_cast %get3A_603 : i32 to index
        %get3A_605 = arith.index_cast %add3A_602 : i32 to index
        %get3A_606 = tpu.vector_load %arg5[%get3A_604, %get3A_605] {strides = array<i32>} : memref<16x2048xf32, #tpu.memory_space<vmem>>, vector<1x16xf32>,
        %get3A_607 = vector.shape_cast %get3A_606 : vector<1x16xf32> to vector<16xf32>
        %add3A_608 = arith.addf %add3A_576, %get3A_607 : vector<16xf32>
        %add3A_609 = arith.constant 48 : i32
        %add3A_610 = arith.addi %mul3A_117, %add3A_609 : i32
        %get3A_611 = arith.constant 14 : i32
        %get3A_612 = arith.index_cast %get3A_611 : i32 to index
        %get3A_613 = arith.index_cast %add3A_610 : i32 to index
        %get3A_614 = tpu.vector_load %arg5[%get3A_612, %get3A_613] {strides = array<i32>} : memref<16x2048xf32, #tpu.memory_space<vmem>>, vector<1x16xf32>,
        %get3A_615 = vector.shape_cast %get3A_614 : vector<1x16xf32> to vector<16xf32>
        %add3A_616 = arith.addf %add3A_584, %get3A_615 : vector<16xf32>
        %add3A_617 = arith.constant 0 : i32
        %add3A_618 = arith.addi %mul3A_117, %add3A_617 : i32
        %get3A_619 = arith.constant 15 : i32
        %get3A_620 = arith.index_cast %get3A_619 : i32 to index
        %get3A_621 = arith.index_cast %add3A_618 : i32 to index
        %get3A_622 = tpu.vector_load %arg5[%get3A_620, %get3A_621] {strides = array<i32>} : memref<16x2048xf32, #tpu.memory_space<vmem>>, vector<1x16xf32>,
        %get3A_623 = vector.shape_cast %get3A_622 : vector<1x16xf32> to vector<16xf32>
        %add3A_624 = arith.addf %add3A_592, %get3A_623 : vector<16xf32>
        %add3A_625 = arith.constant 16 : i32
        %add3A_626 = arith.addi %mul3A_117, %add3A_625 : i32
        %get3A_627 = arith.constant 15 : i32
        %get3A_628 = arith.index_cast %get3A_627 : i32 to index
        %get3A_629 = arith.index_cast %add3A_626 : i32 to index
        %get3A_630 = tpu.vector_load %arg5[%get3A_628, %get3A_629] {strides = array<i32>} : memref<16x2048xf32, #tpu.memory_space<vmem>>, vector<1x16xf32>,
        %get3A_631 = vector.shape_cast %get3A_630 : vector<1x16xf32> to vector<16xf32>
        %add3A_632 = arith.addf %add3A_600, %get3A_631 : vector<16xf32>
        %add3A_633 = arith.constant 32 : i32
        %add3A_634 = arith.addi %mul3A_117, %add3A_633 : i32
        %get3A_635 = arith.constant 15 : i32
        %get3A_636 = arith.index_cast %get3A_635 : i32 to index
        %get3A_637 = arith.index_cast %add3A_634 : i32 to index
        %get3A_638 = tpu.vector_load %arg5[%get3A_636, %get3A_637] {strides = array<i32>} : memref<16x2048xf32, #tpu.memory_space<vmem>>, vector<1x16xf32>,
        %get3A_639 = vector.shape_cast %get3A_638 : vector<1x16xf32> to vector<16xf32>
        %add3A_640 = arith.addf %add3A_608, %get3A_639 : vector<16xf32>
        %add3A_641 = arith.constant 48 : i32
        %add3A_642 = arith.addi %mul3A_117, %add3A_641 : i32
        %get3A_643 = arith.constant 15 : i32
        %get3A_644 = arith.index_cast %get3A_643 : i32 to index
        %get3A_645 = arith.index_cast %add3A_642 : i32 to index
        %get3A_646 = tpu.vector_load %arg5[%get3A_644, %get3A_645] {strides = array<i32>} : memref<16x2048xf32, #tpu.memory_space<vmem>>, vector<1x16xf32>,
        %get3A_647 = vector.shape_cast %get3A_646 : vector<1x16xf32> to vector<16xf32>
        %add3A_648 = arith.addf %add3A_616, %get3A_647 : vector<16xf32>
        %add3A_649 = arith.constant 0 : i32
        %add3A_650 = arith.addi %mul3A_117, %add3A_649 : i32
        %swap3A = arith.index_cast %add3A_650 : i32 to index
        %swap3A_651 = tpu.vector_load %arg6[%swap3A] {strides = array<i32>} : memref<2048xf32, #tpu.memory_space<vmem>>, vector<16xf32>,
        %swap3A_652 = vector.shape_cast %swap3A_651 : vector<16xf32> to vector<16xf32>
        %swap3A_653 = vector.shape_cast %add3A_624 : vector<16xf32> to vector<16xf32>
        tpu.vector_store %arg6[%swap3A], %swap3A_653 {strides = array<i32>} : memref<2048xf32, #tpu.memory_space<vmem>>, vector<16xf32>,
        %add3A_654 = arith.constant 16 : i32
        %add3A_655 = arith.addi %mul3A_117, %add3A_654 : i32
        %swap3A_656 = arith.index_cast %add3A_655 : i32 to index
        %swap3A_657 = tpu.vector_load %arg6[%swap3A_656] {strides = array<i32>} : memref<2048xf32, #tpu.memory_space<vmem>>, vector<16xf32>,
        %swap3A_658 = vector.shape_cast %swap3A_657 : vector<16xf32> to vector<16xf32>
        %swap3A_659 = vector.shape_cast %add3A_632 : vector<16xf32> to vector<16xf32>
        tpu.vector_store %arg6[%swap3A_656], %swap3A_659 {strides = array<i32>} : memref<2048xf32, #tpu.memory_space<vmem>>, vector<16xf32>,
        %add3A_660 = arith.constant 32 : i32
        %add3A_661 = arith.addi %mul3A_117, %add3A_660 : i32
        %swap3A_662 = arith.index_cast %add3A_661 : i32 to index
        %swap3A_663 = tpu.vector_load %arg6[%swap3A_662] {strides = array<i32>} : memref<2048xf32, #tpu.memory_space<vmem>>, vector<16xf32>,
        %swap3A_664 = vector.shape_cast %swap3A_663 : vector<16xf32> to vector<16xf32>
        %swap3A_665 = vector.shape_cast %add3A_640 : vector<16xf32> to vector<16xf32>
        tpu.vector_store %arg6[%swap3A_662], %swap3A_665 {strides = array<i32>} : memref<2048xf32, #tpu.memory_space<vmem>>, vector<16xf32>,
        %add3A_666 = arith.constant 48 : i32
        %add3A_667 = arith.addi %mul3A_117, %add3A_666 : i32
        %swap3A_668 = arith.index_cast %add3A_667 : i32 to index
        %swap3A_669 = tpu.vector_load %arg6[%swap3A_668] {strides = array<i32>} : memref<2048xf32, #tpu.memory_space<vmem>>, vector<16xf32>,
        %swap3A_670 = vector.shape_cast %swap3A_669 : vector<16xf32> to vector<16xf32>
        %swap3A_671 = vector.shape_cast %add3A_648 : vector<16xf32> to vector<16xf32>
        tpu.vector_store %arg6[%swap3A_668], %swap3A_671 {strides = array<i32>} : memref<2048xf32, #tpu.memory_space<vmem>>, vector<16xf32>,
      }
      %scan3A_107 = arith.constant 32 : i32
      %add3A_108 = arith.constant 2 : i32
      %add3A_109 = arith.addi %add3A_92, %add3A_108 : i32
      %lt3A_110 = arith.constant 8 : i32
      %lt3A_111 = arith.cmpi slt, %add3A_109, %lt3A_110 : i32
      %convert_element_type3A_112 = arith.extui %lt3A_111 : i1 to i32
      %cond3A_113 = arith.constant 0 : i32
      %cond3A_114 = arith.cmpi ne, %convert_element_type3A_112, %cond3A_113 : i32
      scf.if %cond3A_114 {
        %add3A_115 = arith.constant 2 : i32
        %add3A_116 = arith.addi %add3A_92, %add3A_115 : i32
        %mul3A_117 = arith.constant 16 : i32
        %mul3A_118 = arith.muli %add3A_116, %mul3A_117 : i32
        %add3A_119 = arith.addi %add3A_34, %mul3A_118 : i32
        %dma_start3A_120 = arith.constant 0 : i32
        %dma_start3A_121 = tpu.memref_slice %arg2[%add3A_30, %add3A_119, %dma_start3A_120] : memref<4x4096x2048xf32, #tpu.memory_space<hbm>> -> memref<1x16x2048xf32, #tpu.memory_space<hbm>>
        %dma_start3A_122 = tpu.memref_squeeze %dma_start3A_121 : memref<1x16x2048xf32, #tpu.memory_space<hbm>> -> memref<16x2048xf32, #tpu.memory_space<hbm>>
        %dma_start3A_123 = arith.constant 0 : i32
        %dma_start3A_124 = tpu.memref_slice %arg2[%add3A_30, %add3A_119, %dma_start3A_123] : memref<4x4096x2048xf32, #tpu.memory_space<hbm>> -> memref<1x16x2048xf32, #tpu.memory_space<hbm>>
        %dma_start3A_125 = tpu.memref_squeeze %dma_start3A_124 : memref<1x16x2048xf32, #tpu.memory_space<hbm>> -> memref<16x2048xf32, #tpu.memory_space<hbm>>
        tpu.enqueue_dma source(%dma_start3A_125 : memref<16x2048xf32, #tpu.memory_space<hbm>>) target(%arg5 : memref<16x2048xf32, #tpu.memory_space<vmem>>) target_semaphore(%arg8 : memref<!tpu.dma_semaphore, #tpu.memory_space<semaphore_mem>>)
      } else {
      }
    }
    %scan3A_61 = arith.constant 4 : i32
    %mul3A_62 = arith.constant 16 : i32
    %mul3A_63 = arith.muli %arg0, %mul3A_62 : i32
    %add3A_64 = arith.addi %mul3A_63, %arg1 : i32
    "tpu.region"() ({
      %run_scoped3A = tpu.sem_alloc : memref<!tpu.dma_semaphore, #tpu.memory_space<semaphore_mem>>
      %dma_start3A_65 = arith.constant 0 : i32
      %dma_start3A_66 = tpu.memref_slice %arg3[%add3A_64, %dma_start3A_65] : memref<32x2048xf32, #tpu.memory_space<hbm>> -> memref<1x2048xf32, #tpu.memory_space<hbm>>
      %dma_start3A_67 = tpu.memref_squeeze %dma_start3A_66 : memref<1x2048xf32, #tpu.memory_space<hbm>> -> memref<2048xf32, #tpu.memory_space<hbm>>
      %dma_start3A_68 = arith.constant 0 : i32
      %dma_start3A_69 = tpu.memref_slice %arg3[%add3A_64, %dma_start3A_68] : memref<32x2048xf32, #tpu.memory_space<hbm>> -> memref<1x2048xf32, #tpu.memory_space<hbm>>
      %dma_start3A_70 = tpu.memref_squeeze %dma_start3A_69 : memref<1x2048xf32, #tpu.memory_space<hbm>> -> memref<2048xf32, #tpu.memory_space<hbm>>
      tpu.enqueue_dma source(%arg6 : memref<2048xf32, #tpu.memory_space<vmem>>) target(%dma_start3A_70 : memref<2048xf32, #tpu.memory_space<hbm>>) target_semaphore(%run_scoped3A : memref<!tpu.dma_semaphore, #tpu.memory_space<semaphore_mem>>)
      %dma_wait3A = arith.constant 0 : i32
      %dma_wait3A_71 = tpu.memref_slice %arg3[%add3A_64, %dma_wait3A] : memref<32x2048xf32, #tpu.memory_space<hbm>> -> memref<1x2048xf32, #tpu.memory_space<hbm>>
      %dma_wait3A_72 = tpu.memref_squeeze %dma_wait3A_71 : memref<1x2048xf32, #tpu.memory_space<hbm>> -> memref<2048xf32, #tpu.memory_space<hbm>>
      %dma_wait3A_73 = arith.constant 0 : i32
      %dma_wait3A_74 = tpu.memref_slice %arg3[%add3A_64, %dma_wait3A_73] : memref<32x2048xf32, #tpu.memory_space<hbm>> -> memref<1x2048xf32, #tpu.memory_space<hbm>>
      %dma_wait3A_75 = tpu.memref_squeeze %dma_wait3A_74 : memref<1x2048xf32, #tpu.memory_space<hbm>> -> memref<2048xf32, #tpu.memory_space<hbm>>
      tpu.wait_dma2 semaphore(%run_scoped3A : memref<!tpu.dma_semaphore, #tpu.memory_space<semaphore_mem>>) src(%arg6 : memref<2048xf32, #tpu.memory_space<vmem>>) dst(%dma_wait3A_75 : memref<2048xf32, #tpu.memory_space<hbm>>)
      tpu.yield
    }) : () -> ()
    return
  }
}

module attributes {stable_mosaic.version = 14 : i64} {
  func.func @_tc_reduce_body(%arg0: i32, %arg1: memref<4x512x2048xf32, #tpu.memory_space<vmem>>, %arg2: memref<4x2048xf32, #tpu.memory_space<vmem>>) attributes {dimension_semantics = [#tpu.dimension_semantics<arbitrary>], iteration_bounds = array<i64: 6>, scalar_prefetch = 0 : i64, scratch_operands = 0 : i64, tpu.core_type = #tpu.core_type<tc>, window_params = [{transform_indices = @transform_0, window_bounds = array<i64: 4, 512, 2048>}, {pipeline_mode = #tpu.pipeline_mode<synchronous>, transform_indices = @transform_1, window_bounds = array<i64: 4, 2048>}]} {
    %eq3A = arith.constant 0 : i32
    %eq3A_0 = arith.cmpi eq, %arg0, %eq3A : i32
    %convert_element_type3A = arith.extui %eq3A_0 : i1 to i32
    %cond3A = arith.constant 0 : i32
    %cond3A_1 = arith.cmpi ne, %convert_element_type3A, %cond3A : i32
    scf.if %cond3A_1 {
      %broadcast_in_dim3A = arith.constant 0.000000e+00 : f32
      %broadcast_in_dim3A_11 = vector.broadcast %broadcast_in_dim3A : f32 to vector<4x2048xf32>
      %swap3A_12 = arith.constant 0 : index
      %swap3A_13 = arith.constant 0 : index
      %swap3A_14 = vector.load %arg2[%swap3A_12, %swap3A_13] : memref<4x2048xf32, #tpu.memory_space<vmem>>, vector<4x2048xf32>
      tpu.vector_store %arg2[%swap3A_12, %swap3A_13], %broadcast_in_dim3A_11 {strides = array<i32>} : memref<4x2048xf32, #tpu.memory_space<vmem>>, vector<4x2048xf32>,
    } else {
    }
    %get3A = arith.constant 0 : index
    %get3A_2 = arith.constant 0 : index
    %get3A_3 = vector.load %arg2[%get3A, %get3A_2] : memref<4x2048xf32, #tpu.memory_space<vmem>>, vector<4x2048xf32>
    %get3A_4 = arith.constant 0 : index
    %get3A_5 = arith.constant 0 : index
    %get3A_6 = arith.constant 0 : index
    %get3A_7 = vector.load %arg1[%get3A_4, %get3A_5, %get3A_6] : memref<4x512x2048xf32, #tpu.memory_space<vmem>>, vector<4x512x2048xf32>
    %reduce_sum3A = arith.constant dense<0.000000e+00> : vector<4x2048xf32>
    %reduce_sum3A_8 = vector.multi_reduction <add>, %get3A_7, %reduce_sum3A [1] : vector<4x512x2048xf32> to vector<4x2048xf32>
    %add3A = arith.addf %get3A_3, %reduce_sum3A_8 : vector<4x2048xf32>
    %swap3A = arith.constant 0 : index
    %swap3A_9 = arith.constant 0 : index
    %swap3A_10 = vector.load %arg2[%swap3A, %swap3A_9] : memref<4x2048xf32, #tpu.memory_space<vmem>>, vector<4x2048xf32>
    tpu.vector_store %arg2[%swap3A, %swap3A_9], %add3A {strides = array<i32>} : memref<4x2048xf32, #tpu.memory_space<vmem>>, vector<4x2048xf32>,
    return
  }
  func.func @transform_0(%arg0: i32) -> (i32, i32, i32) {
    %c0_i32 = arith.constant 0 : i32
    %c0_i32_0 = arith.constant 0 : i32
    %c0_i32_1 = arith.constant 0 : i32
    return %c0_i32, %arg0, %c0_i32_0 : i32, i32, i32
  }
  func.func @transform_1(%arg0: i32) -> (i32, i32) {
    %c0_i32 = arith.constant 0 : i32
    %c0_i32_0 = arith.constant 0 : i32
    %c0_i32_1 = arith.constant 0 : i32
    return %c0_i32, %c0_i32_0 : i32, i32
  }
}

module attributes {stable_mosaic.version = 14 : i64} {
  func.func @_gate_body(%arg0: memref<4x2048xf32, #tpu.memory_space<vmem>>, %arg1: memref<32x2048xf32, #tpu.memory_space<vmem>>, %arg2: memref<2048x16xf32, #tpu.memory_space<vmem>>, %arg3: memref<16xf32, #tpu.memory_space<vmem>>, %arg4: memref<16xf32, #tpu.memory_space<vmem>>, %arg5: memref<4x16xf32, #tpu.memory_space<vmem>>, %arg6: memref<4x16xi32, #tpu.memory_space<vmem>>) attributes {dimension_semantics = [], scalar_prefetch = 0 : i64, scratch_operands = 0 : i64, tpu.core_type = #tpu.core_type<tc>} {
    %get3A = arith.constant 0 : index
    %get3A_0 = arith.constant 0 : index
    %get3A_1 = vector.load %arg1[%get3A, %get3A_0] : memref<32x2048xf32, #tpu.memory_space<vmem>>, vector<32x2048xf32>
    %reshape3A = vector.shape_cast %get3A_1 : vector<32x2048xf32> to vector<4x8x2048xf32>
    %reduce_sum3A = arith.constant dense<0.000000e+00> : vector<4x2048xf32>
    %reduce_sum3A_2 = vector.multi_reduction <add>, %reshape3A, %reduce_sum3A [1] : vector<4x8x2048xf32> to vector<4x2048xf32>
    %get3A_3 = arith.constant 0 : index
    %get3A_4 = arith.constant 0 : index
    %get3A_5 = vector.load %arg0[%get3A_3, %get3A_4] : memref<4x2048xf32, #tpu.memory_space<vmem>>, vector<4x2048xf32>
    %add3A = arith.addf %get3A_5, %reduce_sum3A_2 : vector<4x2048xf32>
    %mul3A = arith.constant 2.44140625E-4 : f32
    %mul3A_6 = vector.broadcast %mul3A : f32 to vector<4x2048xf32>
    %mul3A_7 = arith.mulf %add3A, %mul3A_6 : vector<4x2048xf32>
    %get3A_8 = arith.constant 0 : index
    %get3A_9 = arith.constant 0 : index
    %get3A_10 = vector.load %arg2[%get3A_8, %get3A_9] : memref<2048x16xf32, #tpu.memory_space<vmem>>, vector<2048x16xf32>
    %dot_general3A = arith.constant dense<0.000000e+00> : vector<4x16xf32>
    %dot_general3A_11 = tpu.matmul %mul3A_7, %get3A_10, %dot_general3A {dimension_numbers = #tpu.dot_dimension_numbers<[1], [0], [0], [1], [0, 0, 1, 1], [], []>, transpose_lhs_hint = false} : vector<4x2048xf32>, vector<2048x16xf32>, vector<4x16xf32> -> vector<4x16xf32>
    %get3A_12 = arith.constant 0 : index
    %get3A_13 = vector.load %arg3[%get3A_12] : memref<16xf32, #tpu.memory_space<vmem>>, vector<16xf32>
    %broadcast_in_dim3A = vector.shape_cast %get3A_13 : vector<16xf32> to vector<1x16xf32>
    %add3A_14 = vector.broadcast %broadcast_in_dim3A : vector<1x16xf32> to vector<4x16xf32>
    %add3A_15 = arith.addf %dot_general3A_11, %add3A_14 : vector<4x16xf32>
    %get3A_16 = arith.constant 0 : index
    %get3A_17 = vector.load %arg4[%get3A_16] : memref<16xf32, #tpu.memory_space<vmem>>, vector<16xf32>
    %broadcast_in_dim3A_18 = vector.shape_cast %get3A_17 : vector<16xf32> to vector<1x16xf32>
    %mul3A_19 = vector.broadcast %broadcast_in_dim3A_18 : vector<1x16xf32> to vector<4x16xf32>
    %mul3A_20 = arith.mulf %mul3A_19, %add3A_15 : vector<4x16xf32>
    %reduce_max3A = arith.constant dense<0xFF800000> : vector<4xf32>
    %reduce_max3A_21 = vector.multi_reduction <maximumf>, %mul3A_20, %reduce_max3A [1] : vector<4x16xf32> to vector<4xf32>
    %broadcast_in_dim3A_22 = vector.shape_cast %reduce_max3A_21 : vector<4xf32> to vector<4x1xf32>
    %sub3A = vector.broadcast %broadcast_in_dim3A_22 : vector<4x1xf32> to vector<4x16xf32>
    %sub3A_23 = arith.subf %mul3A_20, %sub3A : vector<4x16xf32>
    %exp3A = math.exp %sub3A_23 : vector<4x16xf32>
    %reduce_sum3A_24 = arith.constant dense<0.000000e+00> : vector<4xf32>
    %reduce_sum3A_25 = vector.multi_reduction <add>, %exp3A, %reduce_sum3A_24 [1] : vector<4x16xf32> to vector<4xf32>
    %broadcast_in_dim3A_26 = vector.shape_cast %reduce_sum3A_25 : vector<4xf32> to vector<4x1xf32>
    %div3A = vector.broadcast %broadcast_in_dim3A_26 : vector<4x1xf32> to vector<4x16xf32>
    %div3A_27 = arith.divf %exp3A, %div3A : vector<4x16xf32>
    %swap3A = arith.constant 0 : index
    %swap3A_28 = arith.constant 0 : index
    %swap3A_29 = vector.load %arg5[%swap3A, %swap3A_28] : memref<4x16xf32, #tpu.memory_space<vmem>>, vector<4x16xf32>
    tpu.vector_store %arg5[%swap3A, %swap3A_28], %div3A_27 {strides = array<i32>} : memref<4x16xf32, #tpu.memory_space<vmem>>, vector<4x16xf32>,
    %reduce_max3A_30 = arith.constant dense<0xFF800000> : vector<4xf32>
    %reduce_max3A_31 = vector.multi_reduction <maximumf>, %add3A_15, %reduce_max3A_30 [1] : vector<4x16xf32> to vector<4xf32>
    %broadcast_in_dim3A_32 = vector.shape_cast %reduce_max3A_31 : vector<4xf32> to vector<4x1xf32>
    %iota3A = tpu.iota {dimensions = array<i32: 1>} : vector<4x16xi32>
    %eq3A = vector.broadcast %broadcast_in_dim3A_32 : vector<4x1xf32> to vector<4x16xf32>
    %eq3A_33 = arith.cmpf oeq, %add3A_15, %eq3A : vector<4x16xf32>
    %jit3A = arith.constant 16 : i32
    %broadcast_in_dim3A_34 = vector.broadcast %jit3A : i32 to vector<4x16xi32>
    %select_n3A = arith.select %eq3A_33, %iota3A, %broadcast_in_dim3A_34 : vector<4x16xi1>, vector<4x16xi32>
    %reduce_min3A = arith.constant dense<2147483647> : vector<4xi32>
    %reduce_min3A_35 = vector.multi_reduction <minsi>, %select_n3A, %reduce_min3A [1] : vector<4x16xi32> to vector<4xi32>
    %broadcast_in_dim3A_36 = vector.shape_cast %reduce_min3A_35 : vector<4xi32> to vector<4x1xi32>
    %broadcast_in_dim3A_37 = vector.shape_cast %broadcast_in_dim3A_36 : vector<4x1xi32> to vector<4x1xi32>
    %broadcast_in_dim3A_38 = vector.broadcast %broadcast_in_dim3A_37 : vector<4x1xi32> to vector<4x16xi32>
    %swap3A_39 = arith.constant 0 : index
    %swap3A_40 = arith.constant 0 : index
    %swap3A_41 = vector.load %arg6[%swap3A_39, %swap3A_40] : memref<4x16xi32, #tpu.memory_space<vmem>>, vector<4x16xi32>
    tpu.vector_store %arg6[%swap3A_39, %swap3A_40], %broadcast_in_dim3A_38 {strides = array<i32>} : memref<4x16xi32, #tpu.memory_space<vmem>>, vector<4x16xi32>,
    return
  }
}

</mosaic_0001>

<sc_bundles>
// kernel: kernel.5.cloned.1.call-start
scs
__scs_entry_jumppad:
0x0: {  	(pc) =	sbr.rel $0x88, $3  }
0x1: {  	(tag) =	ssettag $0x0;
	lr =	simm.s32 $0x1  }
0x2: {  	[smem:$0x3F9D] =	sst lr;
	_ =	strace $0xD0000000  }
0x3: {  	_ = 	snop  }
0x4: {  	_ = 	snop  }
0x5: {  	_ = 	snop  }
0x6: {  	_ = 	snop  }
0x7: {  	_ = 	snop  }
__scs_overlays_trampoline_lowered:
0x8: {  	[smem:$0x3FAC] =	sst s0  }
0x9: {  	[smem:$0x3FAD] =	sst s1  }
0xa: {  	[smem:$0x3FAE] =	sst s2  }
0xb: {  	[smem:$0x3FAF] =	sst s3  }
0xc: {  	[smem:$0x3FB0] =	sst s4  }
0xd: {  	[smem:$0x3FB1] =	sst s5  }
0xe: {  	[smem:$0x3FB2] =	sst s6  }
0xf: {  	[smem:$0x3FB3] =	sst s7  }
0x10: {  	[smem:$0x3FB4] =	sst s8  }
0x11: {  	[smem:$0x3FB5] =	sst s9;
	s0 =	simm.s32 @!p0 $0x0  }
0x12: {  	s1 =	sld [smem:$0x3F9B];
	s0 =	simm.s32 @p0 $0x1  }
0x13: {  	[smem:$0x3FB6] =	sst s0;
	s0 =	simm.s32 @!p1 $0x0  }
0x14: {  	s2 =	sld [smem:$0x3F9A];
	s0 =	simm.s32 @p1 $0x1  }
0x15: {  	[smem:$0x3FB7] =	sst s0;
	s0 =	simm.s32 @!p2 $0x0  }
0x16: {  	s3 =	sld [smem:$0x3FDB];
	s0 =	simm.s32 @p2 $0x1  }
0x17: {  	s4 =	simm.s32 $0x1BF5;
	[smem:$0x3FB9] =	sst s0  }
0x18: {  	s0 =	sld [smem:$0x3F9C];
	_ =	swait.ge [sflag:s4], $0x0  }
0x19: {  	s7 =	sld [smem:$0x3F9D]  }
0x1a: {  	s8 =	sadd.s32 $0xFFFFE003, lr  }
0x1b: {  	s9 =	sadd.s32 $0xFFFFFEF7, lr;
	s5 =	simm.s32 $0xFFFFFFFF;
	p2 =	slt.u32 s8, $0xFFFFF086  }
0x1c: {  	p1 =	slt.u32 s9, $0xF7A;
	s5 =	simm.s32 @!p2 $0x0  }
0x1d: {  	s5 =	simm.s32 @p1 $0x1;
	p0 =	seq.s32 s7, s2  }
0x1e: {  	s7 =	smul.u32 @!p0 $0xF7A, s2;
	p2 =	seq.s32 @!p0 s5, $0x0  }
0x1f: {  	s9 =	smul.u32 $0xF7A, s1;
	s8 =	simm.s32 @!p0 $0x1BF5;
	p2 =	por !p2, p0  }
0x20: {  	[sflag:s8] =	ssyncset.s32 @!p0 $0xFFFFF086;
	s6 =	sadd.s32 @!p0 s3, s7;
	s7 =	simm.s32 @!p0 $0x108  }
0x21: {  	s3 =	sadd.s32 s3, s9;
	s6 =	sadd.s32 @!p0 $0x88, s6;
	s7 =	simm.s32 @p2 $0x1082  }
0x22: {  	[simem:s7], [sflag:s8] =	dma.local @!p0 [hbm:s6], $0xF7A  }
0x23: {  	s9 =	sor.u32 $0xD0000000, s2;
	s6 =	simm.s32 $0x108;
	_ =	swait.ge @!p0 [sflag:s8], $0x0  }
0x24: {  	s3 =	sadd.s32 $0x88, s3;
	s6 =	simm.s32 @!p1 $0x1082;
	[sflag:s4] =	ssyncset.s32 $0xFFFFF086  }
0x25: {  	[simem:s6], [sflag:s4] =	dma.local [hbm:s3], $0xF7A  }
0x26: {  	[smem:$0x3F9D] =	sst s1;
	(tag) =	ssettag s2;
	_ =	strace s9  }
0x27: {  	s1 =	sld [smem:$0x3FAD]  }
0x28: {  	s2 =	sld [smem:$0x3FAE]  }
0x29: {  	s4 =	sld [smem:$0x3FB0]  }
0x2a: {  	p0 =	seq.s32 s5, $0x0;
	s5 =	sld [smem:$0x3FB1]  }
0x2b: {  	s6 =	sld [smem:$0x3FB2]  }
0x2c: {  	s7 =	sld [smem:$0x3FB3]  }
0x2d: {  	s3 =	simm.s32 $0x108;
	s8 =	sld [smem:$0x3FB4]  }
0x2e: {  	s3 =	simm.s32 @!p0 $0x1082;
	s9 =	sld [smem:$0x3FB5]  }
0x2f: {  	lr =	sadd.s32 s0, s3;
	s0 =	sld [smem:$0x3FAC]  }
0x30: {  	s3 =	sld [smem:$0x3FAF]  }
0x31: {  	[smem:$0x3FB8] =	sst s10  }
0x32: {  	s10 =	sld [smem:$0x3FB6];
	_ =	sdelay $0x3  }
0x33: {  	p0 =	seq.s32 s10, $0x1;
	s10 =	sld [smem:$0x3FB8];
	_ =	sdelay $0x3  }
0x34: {  	[smem:$0x3FB8] =	sst s10  }
0x35: {  	s10 =	sld [smem:$0x3FB7];
	_ =	sdelay $0x3  }
0x36: {  	p1 =	seq.s32 s10, $0x1;
	s10 =	sld [smem:$0x3FB8];
	_ =	sdelay $0x3  }
0x37: {  	[smem:$0x3FB8] =	sst s10  }
0x38: {  	s10 =	sld [smem:$0x3FB9]  }
0x39: {  	_ = 	snop;
	(pc) =	sbr.ind lr, $3  }
0x3a: {  	_ = 	snop  }
0x3b: {  	_ = 	snop  }
0x3c: {  	p2 =	seq.s32 s10, $0x1;
	s10 =	sld [smem:$0x3FB8]  }
0x3d: {  	_ =	shalt  }
0x3e: {  	_ =	shalt  }
0x3f: {  	_ =	shalt  }
0x40: {  	_ =	shalt  }
0x41: {  	_ =	shalt  }
0x42: {  	_ =	shalt  }
0x43: {  	_ =	shalt  }
0x44: {  	_ =	shalt  }
0x45: {  	_ =	shalt  }
0x46: {  	_ =	shalt  }
0x47: {  	_ =	shalt  }
0x48: {  	_ =	shalt  }
0x49: {  	_ =	shalt  }
0x4a: {  	_ =	shalt  }
0x4b: {  	_ =	shalt  }
0x4c: {  	_ =	shalt  }
0x4d: {  	_ =	shalt  }
0x4e: {  	_ =	shalt  }
0x4f: {  	_ =	shalt  }
0x50: {  	_ =	shalt  }
0x51: {  	_ =	shalt  }
0x52: {  	_ =	shalt  }
0x53: {  	_ =	shalt  }
0x54: {  	_ =	shalt  }
0x55: {  	_ =	shalt  }
0x56: {  	_ =	shalt  }
0x57: {  	_ =	shalt  }
0x58: {  	_ =	shalt  }
0x59: {  	_ =	shalt  }
0x5a: {  	_ =	shalt  }
0x5b: {  	_ =	shalt  }
0x5c: {  	_ =	shalt  }
0x5d: {  	_ =	shalt  }
0x5e: {  	_ =	shalt  }
0x5f: {  	_ =	shalt  }
0x60: {  	_ =	shalt  }
0x61: {  	_ =	shalt  }
0x62: {  	_ =	shalt  }
0x63: {  	_ =	shalt  }
0x64: {  	_ =	shalt  }
0x65: {  	_ =	shalt  }
0x66: {  	_ =	shalt  }
0x67: {  	_ =	shalt  }
0x68: {  	_ =	shalt  }
0x69: {  	_ =	shalt  }
0x6a: {  	_ =	shalt  }
0x6b: {  	_ =	shalt  }
0x6c: {  	_ =	shalt  }
0x6d: {  	_ =	shalt  }
0x6e: {  	_ =	shalt  }
0x6f: {  	_ =	shalt  }
0x70: {  	_ =	shalt  }
0x71: {  	_ =	shalt  }
0x72: {  	_ =	shalt  }
0x73: {  	_ =	shalt  }
0x74: {  	_ =	shalt  }
0x75: {  	_ =	shalt  }
0x76: {  	_ =	shalt  }
0x77: {  	_ =	shalt  }
0x78: {  	_ =	shalt  }
0x79: {  	_ =	shalt  }
0x7a: {  	_ =	shalt  }
0x7b: {  	_ =	shalt  }
0x7c: {  	_ =	shalt  }
0x7d: {  	_ =	shalt  }
0x7e: {  	_ =	shalt  }
0x7f: {  	_ =	shalt  }
0x80: {  	_ =	shalt  }
0x81: {  	_ =	shalt  }
0x82: {  	_ =	shalt  }
0x83: {  	_ =	shalt  }
0x84: {  	_ =	shalt  }
0x85: {  	_ =	shalt  }
0x86: {  	_ =	shalt  }
0x87: {  	_ =	shalt  }
.Lfunc_end0:
.L_simem_size_0:
called_computation_lowered:
.L_overlay_start_0:
0x88: {  	s2 =	sld [smem:$0x3FD9]  }
0x89: {  	s3 =	sld [smem:$0x3FFE];
	_ =	sdelay $0x1  }
0x8a: {  	s1 =	srdreg.scid  }
0x8b: {  	s0 =	sand.u32 $0x1, s1  }
0x8c: {  	s17 =	sshll.u32 s0, $0xA;
	s2 =	sadd.s32 s3, s2  }
0x8d: {  	s2 =	sadd.s32 s2, s17  }
0x8e: {  	[smem:$0x3FC4] =	sst s2  }
0x8f: {  	_ = 	snop  }
0x90: {  	s2 =	sld [smem:$0x3FC9];
	(tm) =	ssettm $0x1  }
0x91: {  	s18 =	sld [smem:$0x3FFB];
	_ =	sdelay $0x3  }
0x92: {  	_ =	strace s18  }
0x93: {  	s3 =	sld [smem:$0x3FFC];
	_ =	sdelay $0x3  }
0x94: {  	_ =	strace s3  }
0x95: {  	s3 =	sld [smem:$0x3FFD];
	_ =	sdelay $0x3  }
0x96: {  	_ =	strace s3  }
0x97: {  	_ =	strace $0x8FFFFFFF  }
0x98: {  	s19 =	sld [smem:$0x3FDB];
	_ =	sdelay $0x1  }
0x99: {  	s4 =	simm.s32 $_scs_section_size  }
0x9a: {  	s5 =	simm.s32 $_size__tile_overlayer_lowered;
	s6 =	simm.s32 $_tile_overlayer_lowered  }
0x9b: {  	s22 =	simm.s32 $0x1BFF;
	s21 =	sshll.u32 s6, $0x1;
	s3 =	sadd.s32 s4, s19  }
0x9c: {  	s7 =	simm.s32 $0x0;
	s20 =	sshll.u32 s5, $0x1;
	s5 =	sadd.s32 s21, s3  }
0x9d: {  	[timem:s7], [sflag:s22] =	dma.local [hbm:s5], s20  }
0x9e: {  	_ =	swait.ge [sflag:s22], s20  }
0x9f: {  	s4 =	ssub.s32 $0x0, s20;
	[sflag:s22] =	ssyncset.done $0x0  }
0xa0: {  	[sflag:s22] =	ssyncadd.s32 s4;
	_ =	sdelay $0x1  }
0xa1: {  	s23 =	simm.s32 $0x1B8B  }
0xa2: {  	_ =	swait.ge [sflag:s23], $0x1  }
0xa3: {  	[sflag:s23] =	ssyncset.done $0x0  }
0xa4: {  	s25 =	simm.s32 $0x1B8E;
	s24 =	sld [smem:$0x3FFE];
	[sflag:s23] =	ssyncadd.s32 $0xFFFFFFFF  }
0xa5: {  	s26 =	simm.s32 $execute0_lowered;
	[smem:$0x3FD2] =	sst s25  }
0xa6: {  	s5 =	sshll.u32 s26, $0x1;
	_ =	strace $0x80000046;
	[dreg:$0x1] =	wrdreg $0xFFFFFFFF  }
0xa7: {  	s28 =	simm.s32 $_size_execute0_lowered;
	s3 =	sadd.s32 s3, s5;
	[dreg:$0x0] =	wrdreg $0x0  }
0xa8: {  	s5 =	sshll.u32 s28, $0x1;
	[dreg:$0x2] =	wrdreg s3  }
0xa9: {  	[dreg:$0x3] =	wrdreg s5  }
0xaa: {  	[dreg:$0x4] =	wrdreg $0xC0  }
0xab: {  	_ =	task [dreg:s7], $0x5FFFF  }
0xac: {  	[dreg:$0x1] =	wrdreg $0xFFFFFFFF  }
0xad: {  	[dreg:$0x0] =	wrdreg $0x60  }
0xae: {  	[dreg:$0x2] =	wrdreg s2  }
0xaf: {  	[dreg:$0x3] =	wrdreg s24  }
0xb0: {  	[dreg:$0x4] =	wrdreg $0x9  }
0xb1: {  	_ =	task.clear_ibuf [dreg:s7], $0x5FFFF;
	_ =	strace $0x90000046  }
0xb2: {  	s29 =	simm.s32 $0x9;
	_ =	strace $0x80000048  }
0xb3: {  	_ =	swait.ge [sflag:s29], $0x1  }
0xb4: {  	[sflag:s29] =	ssyncadd.s32 $0xFFFFFFFF  }
0xb5: {  	_ =	strace $0x90000048  }
0xb6: {  	_ =	sfence  }
0xb7: {  	s30 =	sld [smem:$0x0];
	_ =	sdelay $0x2  }
0xb8: {  	s31 =	sshll.u32 s1, $0xD;
	s1 =	sshrl.u32 s1, $0x2  }
0xb9: {  	s3 =	sand.u32 $0x4000, s31;
	s1 =	sadd.s32 s1, s30  }
0xba: {  	s0 =	sor.u32 s3, s0;
	s1 =	sshll.u32 s1, $0x11  }
0xbb: {  	s0 =	sor.u32 s1, s0  }
0xbc: {  	s0 =	sadd.s32 $0x8F2B, s0  }
0xbd: {  	[sflag:s0] =	ssyncadd.remote.s32 $0x1  }
0xbe: {  	_ =	sfence.sel $0xFFFF  }
0xbf: {  	[dreg:$0x0] =	wrdreg $0xFFFFFFFF;
	(pc) =	sbr.abs _section_cstart, $3  }
0xc0: {  	[dreg:$0x1] =	wrdreg $0xFFFFFFFF  }
0xc1: {  	_ =	task.clear_ibuf [dreg:s7], $0x2FFFF;
	_ =	strace $0x9FFFFFFF  }
0xc2: {  	(tm) =	ssettm $0x7FFFFFFF  }
0xc3: {  	_ =	shalt  }
tec
execute0_lowered:
.L_overlay_start_1:
0x0: {  	(tag) =	ssettag $0x1  }
0x1: {  	s7 =	rddreg [dreg:$0x0]  }
0x2: {  	s0 =	rddreg [dreg:$0x1];
	s2 =	simm.s32 $0x0;
	s1 =	srdreg.scid  }
0x3: {  	s6 =	stileid.u32;
	[smem:$0x7FF] =	sst s2  }
0x4: {  	s1 =	sand.u32 $0x1, s1;
	s3 =	sshll.u32 s6, $0x14;
	s22 =	sshll.u32 s6, $0x12  }
0x5: {  	s24 =	sshll.u32 s6, $0x4;
	s26 =	sshll.u32 s6, $0x8;
	s21 =	sshll.u32 s1, $0xC  }
0x6: {  	s4 =	ssub.s32 $0x2, s1;
	s1 =	sshll.u32 s1, $0x18;
	s3 =	sand.u32 $0x800000, s3  }
0x7: {  	_ =	strace $0x80000047;
	s5 =	sshrl.u32 s4, $0x1;
	s1 =	sor.u32 s1, s3  }
0x8: {  	s0 =	sadd.s32 s21, s0;
	s3 =	sand.u32 $0x70, s24;
	s1 =	sor.u32 s1, s22  }
0x9: {  	s23 =	ssub.s32 s4, s5;
	s5 =	sand.u32 $0x800, s26;
	s25 =	sor.u32 $0x600000, s1  }
0xa: {  	s28 =	sshrl.u32 s1, $0x3;
	s0 =	sadd.s32 s5, s0;
	s30 =	sor.u32 $0x610000, s1  }
0xb: {  	s1 =	sor.u32 $0x618000, s1;
	s31 =	smax.u32 s23, $0x1;
	[dreg:$0x1d] =	wrdreg s30  }
.Ltmp0:
0xc: {  	s4 =	sshrl.u32 s25, $0x3;
	[dreg:$0x1e] =	wrdreg s1;
	(pc) =	sbr.rel .LBB2_1-.Ltmp0, $4  }
0xd: {  	s6 =	sor.u32 $0xC1000, s28;
	[smem:$0x7FD] =	sst s31;
	s4 =	sadd.s32 s7, s4  }
0xe: {  	s0 =	sadd.s32 s3, s0;
	s29 =	sadd.s32 s7, s6;
	[dreg:$0x1b] =	wrdreg s4  }
0xf: {  	s0 =	sadd.s32 $0x800, s0;
	[dreg:$0x1c] =	wrdreg s29  }
0x10: {  	v0 =	vimm.f32 $0.0e+00;
	s2 =	simm.s32 $0x0;
	[dreg:$0x1f] =	wrdreg s0  }
.LBB2_10:
0x11: {  	s0 =	rddreg [dreg:$0x1f];
	s1 =	simm.s32 $0x80  }
0x12: {  	s2 =	simm.s32 $0x400;
	s3 =	simm.s32 $0x10000;
	s29 =	simm.s32 $0x3  }
0x13: {  	[hbm4b:s0+s1] =	stream.strided.scatter [tilespmem:s3], [sflag:$0x3], $0x800, s2, s1, $0x38;
	[tilespmem:$0x10800] =	vst v63  }
0x14: {  	_ =	swait.ge [sflag:s29], $0x800  }
0x15: {  	s30 =	sld [smem:$0x7FC]  }
0x16: {  	s31 =	sld [smem:$0x7FD];
	_ =	sdelay $0x1  }
0x17: {  	s2 =	sadd.s32 $0x1, s30  }
0x18: {  	p0 =	sne.s32 s2, s31  }
.Ltmp1:
0x19: {  	_ = 	snop;
	(pc) =	sbr.rel @!p0 .LBB2_11-.Ltmp1, $3  }
0x1a: {  	_ =	sdelay $0x1  }
0x1b: {  	[sflag:s29] =	ssyncset.done $0x0  }
0x1c: {  	[sflag:s29] =	ssyncadd.s32 $0xFFFFF800  }
.LBB2_1:
0x1d: {  	[smem:$0x7FC] =	sst s2;
	s0 =	simm.s32 $0x40;
	s1 =	simm.s32 $0x0  }
.LBB2_2:
0x1e: {  	p0 =	sne.s32 s0, $0x1FC0;
	[tilespmem:s1+$0x10000] =	vst v0;
	s1 =	smov.u32 s0;
	s0 =	sadd.s32 $0x40, s0  }
.Ltmp2:
0x1f: {  	(pc) =	sbr.rel @p0 .LBB2_2-.Ltmp2, $2  }
0x20: {  	_ =	sdelay $0x2  }
0x21: {  	s1 =	sshra.s32 s1, $0x2  }
0x22: {  	s0 =	rddreg [dreg:$0x1b]  }
0x23: {  	[tilespmem:s1+$0x10000] =	vst v0;
	s2 =	simm.s32 $0x0;
	s29 =	rddreg [dreg:$0x1c];
	s31 =	simm.s32 $0x0  }
0x24: {  	[tilespmem:s2], [sflag:$0x1] =	stream.linear.gather [hbm4b:s0+s2], $0x8000, $0x38;
	[tilespmem:$0x10800] =	vst v63  }
0x25: {  	s30 =	simm.s32 $0x8000;
	[smem:$0x7FB] =	sst s31  }
0x26: {  	[tilespmem:s30], [sflag:$0x2] =	stream.linear.gather [hbm4b:s29+s2], $0x8000, $0x38;
	[tilespmem:$0x10800] =	vst v63  }
.LBB2_4:
0x27: {  	s0 =	simm.s32 $0x1  }
0x28: {  	s18 =	simm.s32 $0x0;
	_ =	swait.ge [sflag:s0], $0x8000  }
0x29: {  	s10 =	sand.u32 $0x40, s18;
	[sflag:s0] =	ssyncset.done $0x0  }
0x2a: {  	s12 =	sand.u32 $0x3C00, s18;
	[sflag:s0] =	ssyncadd.s32 $0xFFFF8000;
	s0 =	simm.s32 $0x10000  }
0x2b: {  	s2 =	sor.u32 s10, s12;
	v12 =	vld [tilespmem:s0+$0x0]  }
0x2c: {  	v13 =	vld [tilespmem:s2+$0x80]  }
0x2d: {  	v14 =	vld [tilespmem:s2+$0x100]  }
0x2e: {  	s7 =	sor.u32 $0x4000, s12;
	v15 =	vld [tilespmem:s2+$0x0]  }
0x2f: {  	s1 =	sor.u32 $0x4380, s12;
	s3 =	sor.u32 s10, s7;
	v16 =	vld [tilespmem:s2+$0x180]  }
0x30: {  	s9 =	sor.u32 $0x10, s10;
	s4 =	sor.u32 s10, s1;
	v10 =	vld [tilespmem:s3+$0x0]  }
0x31: {  	s5 =	sor.u32 $0x4200, s12;
	s19 =	sor.u32 s9, s7;
	v1 =	vld [tilespmem:s4+$0x0]  }
0x32: {  	s20 =	sor.u32 s10, s5;
	v11 =	vld [tilespmem:s19+$0x0]  }
0x33: {  	s8 =	sor.u32 $0x4100, s12;
	s21 =	sor.u32 s9, s1;
	v4 =	vld [tilespmem:s20+$0x0]  }
0x34: {  	s11 =	sor.u32 s9, s8;
	v2 =	vld [tilespmem:s21+$0x0]  }
0x35: {  	s23 =	sor.u32 s9, s5;
	v9 =	vld [tilespmem:s11+$0x0]  }
0x36: {  	s30 =	sor.u32 s10, s8;
	v6 =	vld [tilespmem:s23+$0x0]  }
0x37: {  	p0 =	por $0x0, $0x0;
	s6 =	simm.s32 $0x1;
	s31 =	sor.u32 s9, s12;
	v23 =	vld [tilespmem:s30+$0x0]  }
0x38: {  	s6 =	simm.s32 @!p0 $0x0;
	v24 =	vld [tilespmem:s31+$0x0]  }
0x39: {  	s6 =	sshll.u32 s6, $0x6;
	v25 =	vld [tilespmem:s31+$0x80]  }
0x3a: {  	s14 =	sadd.s32 $0x0, s6;
	s6 =	sor.u32 $0x4280, s12;
	v26 =	vld [tilespmem:s31+$0x100]  }
0x3b: {  	s17 =	sor.u32 s10, s6;
	v29 =	vld [tilespmem:s31+$0x180]  }
0x3c: {  	s26 =	sor.u32 s9, s6;
	v7 =	vld [tilespmem:s17+$0x0]  }
0x3d: {  	s2 =	sor.u32 $0x20, s10;
	s21 =	sor.u32 $0x300, s14;
	v8 =	vld [tilespmem:s26+$0x0]  }
0x3e: {  	s4 =	sor.u32 $0x4300, s12;
	s13 =	sor.u32 s2, s12;
	v32 =	vld [tilespmem:s21+$0x0]  }
0x3f: {  	s22 =	sor.u32 s9, s4;
	v17 =	vld [tilespmem:s13+$0x100]  }
0x40: {  	s19 =	sor.u32 $0x30, s10;
	v3 =	vld [tilespmem:s22+$0x0]  }
0x41: {  	s15 =	sadd.s32 $0x10, s14;
	s16 =	sor.u32 s19, s12;
	v18 =	vld [tilespmem:s13+$0x0]  }
0x42: {  	s24 =	sor.u32 $0x380, s15;
	v19 =	vld [tilespmem:s16+$0x0]  }
0x43: {  	s11 =	sor.u32 $0x4180, s12;
	s25 =	sor.u32 s10, s4;
	v20 =	vld [tilespmem:s24+$0x0]  }
0x44: {  	s28 =	sor.u32 s10, s11;
	v5 =	vld [tilespmem:s25+$0x0]  }
0x45: {  	s29 =	sor.u32 s9, s11;
	v21 =	vld [tilespmem:s28+$0x0]  }
0x46: {  	s17 =	sor.u32 $0x380, s14;
	v22 =	vld [tilespmem:s29+$0x0]  }
0x47: {  	s20 =	sor.u32 $0x300, s15;
	v30 =	vld [tilespmem:s17+$0x0]  }
0x48: {  	v31 =	vld [tilespmem:s20+$0x0]  }
0x49: {  	v39 =	vld [tilespmem:s13+$0x80]  }
0x4a: {  	s12 =	sor.u32 $0x4080, s12;
	v40 =	vld [tilespmem:s16+$0x80]  }
0x4b: {  	s23 =	sand.u32 $0x780, s18;
	s10 =	sor.u32 s10, s12;
	v57 =	vld [tilespmem:s16+$0x100]  }
0x4c: {  	s18 =	sor.u32 $0x10000, s23;
	s3 =	sor.u32 s9, s12;
	v27 =	vld [tilespmem:s10+$0x0]  }
0x4d: {  	v28 =	vld [tilespmem:s3+$0x0];
	s10 =	sor.u32 s9, s18  }
0x4e: {  	s9 =	sor.u32 s2, s18;
	v36 =	vld [tilespmem:s10+$0x0]  }
0x4f: {  	s3 =	sor.u32 s19, s18;
	v37 =	vld [tilespmem:s9+$0x0]  }
0x50: {  	v38 =	vld [tilespmem:s3+$0x0]  }
0x51: {  	v58 =	vld [tilespmem:s16+$0x180]  }
0x52: {  	s22 =	sor.u32 $0x280, s15;
	v61 =	vld [tilespmem:s13+$0x180];
	v12 =	vadd.f32 v15, v12  }
0x53: {  	s24 =	sor.u32 $0x280, s14;
	v33 =	vld [tilespmem:s22+$0x0];
	v24 =	vadd.f32 v24, v36  }
0x54: {  	s25 =	sor.u32 $0x200, s14;
	v34 =	vld [tilespmem:s24+$0x0];
	v12 =	vadd.f32 v13, v12;
	v18 =	vadd.f32 v18, v37  }
0x55: {  	s26 =	sadd.s32 $0x20, s14;
	s15 =	sor.u32 $0x200, s15;
	v35 =	vld [tilespmem:s25+$0x0];
	v59 =	vadd.f32 v19, v38;
	v60 =	vadd.f32 v25, v24  }
0x56: {  	s14 =	sadd.s32 $0x30, s14;
	s28 =	sor.u32 $0x200, s26;
	v62 =	vld [tilespmem:s15+$0x0];
	v12 =	vadd.f32 v14, v12;
	v18 =	vadd.f32 v39, v18  }
0x57: {  	v63 =	vld [tilespmem:s28+$0x0];
	s29 =	sor.u32 $0x200, s14;
	v13 =	vadd.f32 v40, v59;
	v19 =	vadd.f32 v26, v60  }
0x58: {  	s30 =	sor.u32 $0x280, s26;
	v37 =	vld [tilespmem:s29+$0x0];
	v12 =	vadd.f32 v16, v12;
	v17 =	vadd.f32 v17, v18  }
0x59: {  	s31 =	sor.u32 $0x280, s14;
	v39 =	vld [tilespmem:s30+$0x0];
	v13 =	vadd.f32 v57, v13;
	v38 =	vadd.f32 v29, v19  }
0x5a: {  	s16 =	sor.u32 $0x300, s26;
	v40 =	vld [tilespmem:s31+$0x0];
	v12 =	vadd.f32 v35, v12;
	v17 =	vadd.f32 v61, v17  }
0x5b: {  	v41 =	vld [tilespmem:s16+$0x0];
	s17 =	sor.u32 $0x300, s14;
	v13 =	vadd.f32 v58, v13;
	v14 =	vadd.f32 v62, v38  }
0x5c: {  	s13 =	sor.u32 $0x380, s26;
	v42 =	vld [tilespmem:s17+$0x0];
	v12 =	vadd.f32 v34, v12;
	v17 =	vadd.f32 v63, v17  }
0x5d: {  	v43 =	vld [tilespmem:s13+$0x0];
	s18 =	sor.u32 $0x380, s14;
	v13 =	vadd.f32 v37, v13;
	v14 =	vadd.f32 v33, v14  }
0x5e: {  	s20 =	sor.u32 s2, s7;
	v44 =	vld [tilespmem:s18+$0x0];
	v12 =	vadd.f32 v32, v12;
	v17 =	vadd.f32 v39, v17  }
0x5f: {  	s7 =	sor.u32 s19, s7;
	v45 =	vld [tilespmem:s20+$0x0];
	v13 =	vadd.f32 v40, v13;
	v14 =	vadd.f32 v31, v14  }
0x60: {  	s21 =	sor.u32 s2, s12;
	v46 =	vld [tilespmem:s7+$0x0];
	v12 =	vadd.f32 v30, v12;
	v15 =	vadd.f32 v41, v17  }
0x61: {  	v47 =	vld [tilespmem:s21+$0x0];
	s22 =	sor.u32 s19, s12;
	v13 =	vadd.f32 v42, v13;
	v14 =	vadd.f32 v20, v14  }
0x62: {  	s23 =	sor.u32 s2, s8;
	v48 =	vld [tilespmem:s22+$0x0];
	v10 =	vadd.f32 v10, v12;
	v15 =	vadd.f32 v43, v15  }
0x63: {  	v49 =	vld [tilespmem:s23+$0x0];
	s24 =	sor.u32 s19, s8;
	v13 =	vadd.f32 v44, v13;
	v11 =	vadd.f32 v11, v14  }
0x64: {  	s25 =	sor.u32 s2, s11;
	v50 =	vld [tilespmem:s24+$0x0];
	v10 =	vadd.f32 v27, v10;
	v15 =	vadd.f32 v45, v15  }
0x65: {  	s26 =	sor.u32 s19, s11;
	v51 =	vld [tilespmem:s25+$0x0];
	v13 =	vadd.f32 v46, v13;
	v11 =	vadd.f32 v28, v11  }
0x66: {  	v52 =	vld [tilespmem:s26+$0x0];
	s28 =	sor.u32 s2, s5;
	v10 =	vadd.f32 v23, v10;
	v15 =	vadd.f32 v47, v15  }
0x67: {  	s5 =	sor.u32 s19, s5;
	v53 =	vld [tilespmem:s28+$0x0];
	v13 =	vadd.f32 v48, v13;
	v9 =	vadd.f32 v9, v11  }
0x68: {  	v54 =	vld [tilespmem:s5+$0x0];
	s29 =	sor.u32 s2, s6;
	v10 =	vadd.f32 v21, v10;
	v12 =	vadd.f32 v49, v15  }
0x69: {  	v55 =	vld [tilespmem:s29+$0x0];
	s30 =	sor.u32 s19, s6;
	v13 =	vadd.f32 v50, v13;
	v9 =	vadd.f32 v22, v9  }
0x6a: {  	s31 =	sor.u32 s2, s4;
	v56 =	vld [tilespmem:s30+$0x0];
	v4 =	vadd.f32 v4, v10;
	v12 =	vadd.f32 v51, v12  }
0x6b: {  	s2 =	sor.u32 s2, s1;
	v57 =	vld [tilespmem:s31+$0x0];
	v13 =	vadd.f32 v52, v13;
	v6 =	vadd.f32 v6, v9  }
0x6c: {  	s4 =	sor.u32 s19, s4;
	v59 =	vld [tilespmem:s2+$0x0];
	v4 =	vadd.f32 v7, v4;
	v12 =	vadd.f32 v53, v12  }
0x6d: {  	v58 =	vld [tilespmem:s4+$0x0];
	v11 =	vadd.f32 v54, v13;
	v6 =	vadd.f32 v8, v6  }
0x6e: {  	s1 =	sor.u32 s19, s1;
	v4 =	vadd.f32 v5, v4;
	v60 =	vadd.f32 v55, v12  }
0x6f: {  	v61 =	vld [tilespmem:s1+$0x0];
	v11 =	vadd.f32 v56, v11;
	v3 =	vadd.f32 v3, v6  }
0x70: {  	v1 =	vadd.f32 v1, v4;
	v62 =	vadd.f32 v57, v60  }
0x71: {  	v2 =	vadd.f32 v2, v3  }
0x72: {  	[tilespmem:s0+$0x0] =	vst v1;
	v3 =	vadd.f32 v58, v11;
	v63 =	vadd.f32 v59, v62  }
0x73: {  	p0 =	por !p0, !p0;
	[tilespmem:s10+$0x0] =	vst v2  }
0x74: {  	s23 =	simm.s32 $0x10040;
	s20 =	simm.s32 $0x200;
	s22 =	simm.s32 $0x40;
	v1 =	vadd.f32 v61, v3;
	[tilespmem:s9+$0x0] =	vst v63  }
.LBB2_5:
0x75: {  	_ = 	snop  }
0x76: {  	s13 =	sand.u32 $0x40, s22;
	s26 =	sand.u32 $0x3C00, s20;
	[tilespmem:s3+$0x0] =	vst v1  }
0x77: {  	s1 =	sor.u32 s13, s26;
	v14 =	vld [tilespmem:s23+$0x0]  }
0x78: {  	v13 =	vld [tilespmem:s1+$0x80]  }
0x79: {  	v12 =	vld [tilespmem:s1+$0x100]  }
0x7a: {  	s2 =	sor.u32 $0x4000, s26;
	v16 =	vld [tilespmem:s1+$0x0]  }
0x7b: {  	s9 =	sor.u32 $0x4380, s26;
	v15 =	vld [tilespmem:s1+$0x180];
	s10 =	sor.u32 s13, s2  }
0x7c: {  	s29 =	sor.u32 $0x20, s13;
	s6 =	sor.u32 s13, s9;
	v5 =	vld [tilespmem:s10+$0x0]  }
0x7d: {  	s28 =	sor.u32 $0x10, s13;
	s16 =	sor.u32 s29, s26;
	v1 =	vld [tilespmem:s6+$0x0]  }
0x7e: {  	s3 =	sor.u32 $0x4200, s26;
	s12 =	sor.u32 s28, s2;
	v19 =	vld [tilespmem:s16+$0x100]  }
0x7f: {  	s31 =	sor.u32 $0x30, s13;
	s4 =	sor.u32 s13, s3;
	v7 =	vld [tilespmem:s12+$0x0]  }
0x80: {  	s30 =	sor.u32 $0x4100, s26;
	s25 =	sor.u32 s31, s26;
	v3 =	vld [tilespmem:s4+$0x0]  }
0x81: {  	s19 =	sor.u32 s28, s30;
	v20 =	vld [tilespmem:s25+$0x100]  }
0x82: {  	v8 =	vld [tilespmem:s19+$0x0]  }
0x83: {  	s11 =	sor.u32 $0x4300, s26;
	v21 =	vld [tilespmem:s16+$0x80]  }
0x84: {  	s21 =	sor.u32 s28, s11;
	v22 =	vld [tilespmem:s25+$0x80]  }
0x85: {  	v4 =	vld [tilespmem:s21+$0x0]  }
0x86: {  	s24 =	sor.u32 s28, s3;
	v23 =	vld [tilespmem:s16+$0x0]  }
0x87: {  	v6 =	vld [tilespmem:s24+$0x0]  }
0x88: {  	s0 =	simm.s32 $0x1;
	s5 =	sor.u32 s13, s11;
	v24 =	vld [tilespmem:s25+$0x0]  }
0x89: {  	s0 =	simm.s32 @!p0 $0x0;
	v9 =	vld [tilespmem:s5+$0x0]  }
0x8a: {  	s0 =	sshll.u32 s0, $0x6;
	v36 =	vld [tilespmem:s25+$0x180]  }
0x8b: {  	s8 =	sor.u32 s29, s30;
	s18 =	sadd.s32 s0, s20;
	s0 =	sor.u32 s28, s9;
	v37 =	vld [tilespmem:s16+$0x180]  }
0x8c: {  	s6 =	sor.u32 s31, s30;
	s21 =	sor.u32 $0x4280, s26;
	s30 =	sor.u32 s13, s30;
	v2 =	vld [tilespmem:s0+$0x0]  }
0x8d: {  	s24 =	sor.u32 s13, s21;
	v31 =	vld [tilespmem:s30+$0x0]  }
0x8e: {  	s7 =	sand.u32 $0x780, s22;
	s0 =	sor.u32 s28, s26;
	v10 =	vld [tilespmem:s24+$0x0]  }
0x8f: {  	s7 =	sor.u32 $0x10000, s7;
	s1 =	sor.u32 s28, s21;
	v25 =	vld [tilespmem:s0+$0x0]  }
0x90: {  	s10 =	sor.u32 s31, s2;
	s12 =	sor.u32 s29, s2;
	s2 =	sor.u32 s31, s3;
	v11 =	vld [tilespmem:s1+$0x0]  }
0x91: {  	s4 =	sor.u32 s29, s3;
	s3 =	sor.u32 s31, s11;
	[dreg:$0xa] =	wrdreg s2;
	v26 =	vld [tilespmem:s0+$0x80]  }
0x92: {  	s17 =	sadd.s32 $0x10, s18;
	s15 =	sadd.s32 $0x20, s18;
	[dreg:$0x6] =	wrdreg s3;
	v27 =	vld [tilespmem:s0+$0x100]  }
0x93: {  	s2 =	sor.u32 s29, s11;
	s3 =	sor.u32 s29, s9;
	s30 =	sor.u32 $0x200, s18;
	v57 =	vld [tilespmem:s0+$0x180]  }
0x94: {  	s11 =	sor.u32 s31, s9;
	[dreg:$0x8] =	wrdreg s2;
	s19 =	sor.u32 $0x380, s17;
	v63 =	vld [tilespmem:s30+$0x0]  }
0x95: {  	s9 =	sor.u32 s31, s21;
	[dreg:$0x7] =	wrdreg s3;
	s2 =	sor.u32 s29, s7;
	v17 =	vld [tilespmem:s19+$0x0]  }
0x96: {  	[dreg:$0x5] =	wrdreg s11;
	s11 =	sor.u32 s29, s21;
	s3 =	sor.u32 s31, s7;
	v28 =	vld [tilespmem:s2+$0x0]  }
0x97: {  	s16 =	sor.u32 $0x280, s15;
	s19 =	sor.u32 $0x4180, s26;
	v29 =	vld [tilespmem:s3+$0x0];
	s26 =	sor.u32 $0x4080, s26  }
0x98: {  	v40 =	vld [tilespmem:s16+$0x0];
	s21 =	sor.u32 s13, s19;
	s1 =	sor.u32 s28, s19;
	s24 =	sor.u32 s29, s19  }
0x99: {  	s5 =	sor.u32 s31, s19;
	s19 =	sor.u32 s13, s26;
	s13 =	sor.u32 s28, s7;
	v18 =	vld [tilespmem:s21+$0x0]  }
0x9a: {  	v32 =	vld [tilespmem:s13+$0x0]  }
0x9b: {  	v30 =	vld [tilespmem:s1+$0x0]  }
0x9c: {  	s7 =	sor.u32 $0x300, s17;
	v55 =	vld [tilespmem:s19+$0x0]  }
0x9d: {  	s21 =	sor.u32 s28, s26;
	v59 =	vld [tilespmem:s7+$0x0]  }
0x9e: {  	v14 =	vadd.f32 v16, v14;
	s1 =	sor.u32 $0x380, s18;
	v56 =	vld [tilespmem:s21+$0x0]  }
0x9f: {  	s14 =	sadd.s32 $0x30, s18;
	s28 =	sor.u32 $0x280, s18;
	v58 =	vld [tilespmem:s1+$0x0];
	v25 =	vadd.f32 v25, v32  }
0xa0: {  	s29 =	sor.u32 s29, s26;
	s26 =	sor.u32 s31, s26;
	s31 =	sor.u32 $0x200, s17;
	v62 =	vld [tilespmem:s28+$0x0];
	v13 =	vadd.f32 v13, v14;
	v23 =	vadd.f32 v23, v28  }
0xa1: {  	s7 =	sor.u32 $0x200, s14;
	v38 =	vld [tilespmem:s31+$0x0];
	v24 =	vadd.f32 v24, v29;
	v25 =	vadd.f32 v26, v25  }
0xa2: {  	s1 =	sor.u32 $0x200, s15;
	v39 =	vld [tilespmem:s7+$0x0];
	v12 =	vadd.f32 v12, v13;
	v21 =	vadd.f32 v21, v23  }
0xa3: {  	s21 =	sor.u32 $0x280, s17;
	v33 =	vld [tilespmem:s1+$0x0];
	v22 =	vadd.f32 v22, v24;
	v25 =	vadd.f32 v27, v25  }
0xa4: {  	s19 =	sor.u32 $0x300, s18;
	v61 =	vld [tilespmem:s21+$0x0];
	v12 =	vadd.f32 v15, v12;
	v19 =	vadd.f32 v19, v21  }
0xa5: {  	v60 =	vld [tilespmem:s19+$0x0];
	s17 =	sor.u32 $0x280, s14;
	v20 =	vadd.f32 v20, v22;
	v23 =	vadd.f32 v57, v25  }
0xa6: {  	s18 =	sor.u32 $0x300, s15;
	v41 =	vld [tilespmem:s17+$0x0];
	v12 =	vadd.f32 v63, v12;
	v19 =	vadd.f32 v37, v19  }
0xa7: {  	v42 =	vld [tilespmem:s18+$0x0];
	s19 =	sor.u32 $0x300, s14;
	v14 =	vadd.f32 v36, v20;
	v13 =	vadd.f32 v38, v23  }
0xa8: {  	v43 =	vld [tilespmem:s19+$0x0];
	s21 =	sor.u32 $0x380, s15;
	v12 =	vadd.f32 v62, v12;
	v19 =	vadd.f32 v33, v19  }
0xa9: {  	s25 =	sor.u32 $0x380, s14;
	v44 =	vld [tilespmem:s21+$0x0];
	v14 =	vadd.f32 v39, v14;
	v13 =	vadd.f32 v61, v13  }
0xaa: {  	v45 =	vld [tilespmem:s25+$0x0];
	v12 =	vadd.f32 v60, v12;
	v19 =	vadd.f32 v40, v19  }
0xab: {  	v46 =	vld [tilespmem:s12+$0x0];
	v14 =	vadd.f32 v41, v14;
	v13 =	vadd.f32 v59, v13  }
0xac: {  	v47 =	vld [tilespmem:s10+$0x0];
	v12 =	vadd.f32 v58, v12;
	v19 =	vadd.f32 v42, v19  }
0xad: {  	v48 =	vld [tilespmem:s29+$0x0];
	v14 =	vadd.f32 v43, v14;
	v13 =	vadd.f32 v17, v13  }
0xae: {  	v49 =	vld [tilespmem:s26+$0x0];
	v5 =	vadd.f32 v5, v12;
	v15 =	vadd.f32 v44, v19  }
0xaf: {  	v50 =	vld [tilespmem:s8+$0x0];
	v14 =	vadd.f32 v45, v14;
	v7 =	vadd.f32 v7, v13  }
0xb0: {  	v51 =	vld [tilespmem:s6+$0x0];
	v5 =	vadd.f32 v55, v5;
	v15 =	vadd.f32 v46, v15  }
0xb1: {  	v52 =	vld [tilespmem:s24+$0x0];
	v14 =	vadd.f32 v47, v14;
	v7 =	vadd.f32 v56, v7  }
0xb2: {  	v53 =	vld [tilespmem:s5+$0x0];
	v5 =	vadd.f32 v31, v5;
	v15 =	vadd.f32 v48, v15  }
0xb3: {  	v54 =	vld [tilespmem:s4+$0x0];
	s26 =	rddreg [dreg:$0xa];
	v12 =	vadd.f32 v49, v14;
	v7 =	vadd.f32 v8, v7  }
0xb4: {  	v55 =	vld [tilespmem:s26+$0x0];
	v5 =	vadd.f32 v18, v5;
	v13 =	vadd.f32 v50, v15  }
0xb5: {  	v12 =	vadd.f32 v51, v12;
	v56 =	vld [tilespmem:s11+$0x0];
	v7 =	vadd.f32 v30, v7  }
0xb6: {  	s28 =	rddreg [dreg:$0x8];
	v57 =	vld [tilespmem:s9+$0x0];
	v3 =	vadd.f32 v3, v5;
	v13 =	vadd.f32 v52, v13  }
0xb7: {  	s30 =	rddreg [dreg:$0x7];
	v58 =	vld [tilespmem:s28+$0x0];
	v12 =	vadd.f32 v53, v12;
	v6 =	vadd.f32 v6, v7  }
0xb8: {  	s29 =	rddreg [dreg:$0x6];
	v60 =	vld [tilespmem:s30+$0x0];
	v3 =	vadd.f32 v10, v3;
	v8 =	vadd.f32 v54, v13  }
0xb9: {  	v59 =	vld [tilespmem:s29+$0x0];
	v12 =	vadd.f32 v55, v12;
	v6 =	vadd.f32 v11, v6  }
0xba: {  	s31 =	rddreg [dreg:$0x5];
	v3 =	vadd.f32 v9, v3;
	v8 =	vadd.f32 v56, v8  }
0xbb: {  	p1 =	sne.s32 s20, $0x3E00;
	v61 =	vld [tilespmem:s31+$0x0];
	v5 =	vadd.f32 v57, v12;
	v4 =	vadd.f32 v4, v6  }
.Ltmp3:
0xbc: {  	v1 =	vadd.f32 v1, v3;
	v62 =	vadd.f32 v58, v8;
	(pc) =	sbr.rel @p1 .LBB2_5-.Ltmp3, $4  }
0xbd: {  	v2 =	vadd.f32 v2, v4  }
0xbe: {  	v3 =	vadd.f32 v59, v5;
	[tilespmem:s23+$0x0] =	vst v1;
	v63 =	vadd.f32 v60, v62  }
0xbf: {  	s22 =	sadd.s32 $0x40, s22;
	[tilespmem:s13+$0x0] =	vst v2  }
0xc0: {  	p0 =	por !p0, !p0;
	s20 =	sadd.s32 $0x200, s20;
	s23 =	sadd.s32 $0x40, s23;
	v1 =	vadd.f32 v61, v3;
	[tilespmem:s2+$0x0] =	vst v63  }
0xc1: {  	s0 =	sld [smem:$0x7FB];
	_ =	sdelay $0x1  }
0xc2: {  	p1 =	por $0x0, $0x0;
	s8 =	simm.s32 $0x2  }
0xc3: {  	s1 =	sshll.u32 s0, $0x10;
	p0 =	seq.s32 s0, $0x3;
	s0 =	rddreg [dreg:$0x1d]  }
0xc4: {  	s25 =	simm.s32 $0x10000;
	[smem:$0x7FA] =	sst s1;
	s0 =	sadd.s32 @!p0 s1, s0  }
0xc5: {  	s29 =	simm.s32 $0x0;
	s1 =	rddreg [dreg:$0x0];
	s0 =	sshrl.u32 @!p0 s0, $0x3  }
0xc6: {  	[tilespmem:s3+$0x0] =	vst v1;
	s5 =	sand.u32 $0x40, s29;
	s0 =	sadd.s32 @!p0 s1, s0;
	s1 =	simm.s32 @!p0 $0x0  }
0xc7: {  	[tilespmem:s1], [sflag:$0x1] =	stream.linear.gather @!p0 [hbm4b:s0+s1], $0x8000, $0x38;
	[tilespmem:$0x10800] =	vst v63  }
0xc8: {  	s13 =	sor.u32 $0x30, s5;
	s0 =	simm.s32 $0x1;
	_ =	swait.ge [sflag:s8], $0x8000  }
0xc9: {  	s1 =	sand.u32 $0x3C00, s29;
	s0 =	simm.s32 @!p1 $0x0;
	[sflag:s8] =	ssyncset.done $0x0  }
0xca: {  	s4 =	sor.u32 $0xC080, s1;
	s0 =	sshll.u32 s0, $0x6;
	[sflag:s8] =	ssyncadd.s32 $0xFFFF8000  }
0xcb: {  	s3 =	sadd.s32 $0x0, s0;
	s8 =	sor.u32 s13, s4;
	v15 =	vld [tilespmem:s25+$0x0]  }
0xcc: {  	s14 =	sor.u32 $0x8000, s1;
	s0 =	sor.u32 $0x10, s5;
	v1 =	vld [tilespmem:s8+$0x0];
	s18 =	sor.u32 $0x280, s3  }
0xcd: {  	s15 =	sor.u32 s0, s14;
	v10 =	vld [tilespmem:s18+$0x8000]  }
0xce: {  	s19 =	sor.u32 s0, s4;
	v23 =	vld [tilespmem:s15+$0x180]  }
0xcf: {  	s16 =	sor.u32 $0x300, s3;
	v8 =	vld [tilespmem:s19+$0x0]  }
0xd0: {  	v12 =	vld [tilespmem:s16+$0x8000]  }
0xd1: {  	v25 =	vld [tilespmem:s15+$0x100]  }
0xd2: {  	s21 =	sadd.s32 $0x30, s3;
	v27 =	vld [tilespmem:s15+$0x80]  }
0xd3: {  	s9 =	sor.u32 $0x280, s21;
	v30 =	vld [tilespmem:s15+$0x0]  }
0xd4: {  	s6 =	sadd.s32 $0x10, s3;
	s2 =	sor.u32 $0x200, s21;
	v3 =	vld [tilespmem:s9+$0x8000]  }
0xd5: {  	s10 =	sor.u32 $0x200, s6;
	v4 =	vld [tilespmem:s2+$0x8000]  }
0xd6: {  	s8 =	sadd.s32 $0x20, s3;
	s7 =	sor.u32 $0x280, s6;
	v7 =	vld [tilespmem:s10+$0x8000]  }
0xd7: {  	s17 =	sor.u32 $0x200, s8;
	v6 =	vld [tilespmem:s7+$0x8000]  }
0xd8: {  	s20 =	sor.u32 $0x280, s8;
	v14 =	vld [tilespmem:s17+$0x8000]  }
0xd9: {  	s24 =	sor.u32 $0x380, s6;
	v22 =	vld [tilespmem:s20+$0x8000]  }
0xda: {  	s12 =	sand.u32 $0x780, s29;
	s22 =	sor.u32 $0x20, s5;
	s10 =	sor.u32 $0x380, s8;
	v13 =	vld [tilespmem:s24+$0x8000]  }
0xdb: {  	s7 =	sor.u32 $0x10000, s12;
	s12 =	sor.u32 s22, s14;
	v19 =	vld [tilespmem:s10+$0x8000]  }
0xdc: {  	v18 =	vld [tilespmem:s12+$0x180]  }
0xdd: {  	v11 =	vld [tilespmem:s12+$0x0]  }
0xde: {  	s2 =	sor.u32 $0xC000, s1;
	v24 =	vld [tilespmem:s12+$0x100]  }
0xdf: {  	s11 =	sor.u32 s13, s2;
	v17 =	vld [tilespmem:s12+$0x80]  }
0xe0: {  	s23 =	sor.u32 s22, s7;
	v2 =	vld [tilespmem:s11+$0x0]  }
0xe1: {  	s9 =	sor.u32 s5, s2;
	v9 =	vld [tilespmem:s23+$0x0]  }
0xe2: {  	s26 =	sor.u32 s0, s7;
	v5 =	vld [tilespmem:s9+$0x0]  }
0xe3: {  	s19 =	sor.u32 s13, s7;
	v16 =	vld [tilespmem:s26+$0x0]  }
0xe4: {  	s7 =	sor.u32 s5, s14;
	v28 =	vld [tilespmem:s19+$0x0]  }
0xe5: {  	v31 =	vld [tilespmem:s7+$0x0]  }
0xe6: {  	s28 =	sor.u32 $0xC380, s1;
	s31 =	sor.u32 s5, s4;
	v32 =	vld [tilespmem:s7+$0x80];
	v9 =	vadd.f32 v11, v9  }
0xe7: {  	s4 =	sor.u32 s22, s4;
	s6 =	sor.u32 $0x300, s6;
	s11 =	sor.u32 s13, s14;
	v63 =	vld [tilespmem:s7+$0x100]  }
0xe8: {  	s15 =	sor.u32 $0xC180, s1;
	s17 =	sor.u32 $0xC280, s1;
	s24 =	sor.u32 $0xC300, s1;
	v21 =	vld [tilespmem:s11+$0x180];
	v9 =	vadd.f32 v17, v9  }
0xe9: {  	s10 =	sor.u32 $0xC100, s1;
	s12 =	sor.u32 s5, s15;
	s30 =	sor.u32 s5, s24;
	v29 =	vld [tilespmem:s11+$0x0]  }
0xea: {  	s18 =	sor.u32 s5, s10;
	s14 =	sor.u32 s13, s10;
	s20 =	sor.u32 s22, s10;
	v20 =	vld [tilespmem:s11+$0x100];
	v9 =	vadd.f32 v24, v9  }
0xeb: {  	s9 =	sor.u32 s13, s17;
	v26 =	vld [tilespmem:s11+$0x80];
	s11 =	sor.u32 $0x300, s8;
	s8 =	sor.u32 $0xC200, s1  }
0xec: {  	[dreg:$0x4] =	wrdreg s14;
	s14 =	sor.u32 s22, s2;
	s1 =	sor.u32 s5, s17;
	v11 =	vld [tilespmem:s12+$0x0];
	v18 =	vadd.f32 v18, v9  }
0xed: {  	[dreg:$0xd] =	wrdreg s9;
	s9 =	sor.u32 s13, s15;
	s16 =	sor.u32 s13, s8;
	v62 =	vadd.f32 v30, v16;
	v17 =	vld [tilespmem:s6+$0x8000]  }
0xee: {  	v28 =	vadd.f32 v29, v28;
	s6 =	sor.u32 s0, s10;
	s10 =	sor.u32 s0, s17;
	v24 =	vld [tilespmem:s11+$0x8000];
	s11 =	sor.u32 s5, s8;
	v18 =	vadd.f32 v14, v18  }
0xef: {  	s12 =	sor.u32 s0, s15;
	v27 =	vadd.f32 v27, v62;
	[dreg:$0xc] =	wrdreg s10;
	s10 =	sor.u32 s22, s17;
	v16 =	vld [tilespmem:s11+$0x0]  }
0xf0: {  	s17 =	sor.u32 s22, s15;
	s15 =	sor.u32 s13, s24;
	s13 =	sor.u32 s13, s28;
	v9 =	vld [tilespmem:s16+$0x0];
	v18 =	vadd.f32 v22, v18;
	v22 =	vadd.f32 v26, v28  }
0xf1: {  	[dreg:$0x9] =	wrdreg s15;
	v14 =	vld [tilespmem:s7+$0x180];
	s7 =	sor.u32 s0, s8;
	s8 =	sor.u32 s22, s8;
	v26 =	vadd.f32 v31, v15  }
0xf2: {  	s15 =	sor.u32 s22, s28;
	v25 =	vadd.f32 v25, v27;
	s11 =	sor.u32 s0, s24;
	s16 =	sor.u32 s0, s2;
	v15 =	vld [tilespmem:s8+$0x0];
	v22 =	vadd.f32 v20, v22  }
0xf3: {  	s24 =	sor.u32 s22, s24;
	s2 =	simm.s32 $0x10000;
	s22 =	sor.u32 $0x200, s3;
	v24 =	vadd.f32 v24, v18;
	v20 =	vld [tilespmem:s16+$0x0];
	v26 =	vadd.f32 v32, v26  }
0xf4: {  	v23 =	vadd.f32 v23, v25;
	s3 =	sor.u32 $0x380, s3;
	s8 =	sor.u32 s5, s28;
	s5 =	sor.u32 s0, s28;
	v18 =	vld [tilespmem:s4+$0x0];
	v21 =	vadd.f32 v21, v22  }
0xf5: {  	s28 =	sor.u32 $0x300, s21;
	s21 =	sor.u32 $0x380, s21;
	s0 =	simm.s32 $0x200;
	v19 =	vadd.f32 v19, v24;
	v22 =	vld [tilespmem:s22+$0x8000];
	v24 =	vadd.f32 v63, v26  }
.LBB2_7:
0xf6: {  	v25 =	vld [tilespmem:s6+$0x0]  }
0xf7: {  	s4 =	rddreg [dreg:$0xc];
	v7 =	vadd.f32 v7, v23;
	v23 =	vld [tilespmem:s1+$0x0]  }
0xf8: {  	v4 =	vadd.f32 v4, v21;
	v21 =	vld [tilespmem:s4+$0x0];
	v14 =	vadd.f32 v14, v24  }
0xf9: {  	v6 =	vadd.f32 v6, v7;
	v7 =	vld [tilespmem:s14+$0x0]  }
0xfa: {  	v3 =	vadd.f32 v3, v4;
	v4 =	vld [tilespmem:s21+$0x8000];
	v14 =	vadd.f32 v22, v14  }
0xfb: {  	v24 =	vld [tilespmem:s3+$0x8000];
	v6 =	vadd.f32 v17, v6  }
0xfc: {  	s3 =	rddreg [dreg:$0x4];
	v10 =	vadd.f32 v10, v14;
	v14 =	vld [tilespmem:s28+$0x8000]  }
0xfd: {  	s1 =	rddreg [dreg:$0xd];
	v17 =	vld [tilespmem:s3+$0x0];
	v6 =	vadd.f32 v13, v6  }
0xfe: {  	v22 =	vld [tilespmem:s1+$0x0];
	v10 =	vadd.f32 v12, v10  }
0xff: {  	v6 =	vadd.f32 v20, v6;
	v12 =	vld [tilespmem:s31+$0x0]  }
0x100: {  	v13 =	vld [tilespmem:s12+$0x0];
	v10 =	vadd.f32 v24, v10  }
0x101: {  	v6 =	vadd.f32 v8, v6;
	v8 =	vld [tilespmem:s18+$0x0];
	v3 =	vadd.f32 v14, v3  }
0x102: {  	v5 =	vadd.f32 v5, v10;
	v10 =	vld [tilespmem:s7+$0x0]  }
0x103: {  	v3 =	vadd.f32 v4, v3;
	v4 =	vadd.f32 v25, v6;
	v6 =	vld [tilespmem:s20+$0x0]  }
0x104: {  	v7 =	vadd.f32 v7, v19;
	v5 =	vadd.f32 v12, v5;
	v12 =	vld [tilespmem:s9+$0x0]  }
0x105: {  	v2 =	vadd.f32 v2, v3;
	v3 =	vadd.f32 v13, v4;
	v4 =	vld [tilespmem:s17+$0x0]  }
0x106: {  	s12 =	rddreg [dreg:$0x9];
	v7 =	vadd.f32 v18, v7;
	v5 =	vadd.f32 v8, v5;
	v8 =	vld [tilespmem:s11+$0x0]  }
0x107: {  	v14 =	vld [tilespmem:s12+$0x0];
	v1 =	vadd.f32 v1, v2;
	v2 =	vadd.f32 v10, v3  }
0x108: {  	v3 =	vld [tilespmem:s30+$0x0];
	v6 =	vadd.f32 v6, v7;
	v5 =	vadd.f32 v11, v5  }
0x109: {  	v7 =	vld [tilespmem:s10+$0x0];
	v1 =	vadd.f32 v17, v1;
	v2 =	vadd.f32 v21, v2  }
0x10a: {  	v4 =	vadd.f32 v4, v6;
	v5 =	vadd.f32 v16, v5;
	v6 =	vld [tilespmem:s8+$0x0]  }
0x10b: {  	v1 =	vadd.f32 v12, v1;
	v2 =	vadd.f32 v8, v2;
	v8 =	vld [tilespmem:s24+$0x0]  }
0x10c: {  	v10 =	vld [tilespmem:s5+$0x0];
	v4 =	vadd.f32 v15, v4;
	v5 =	vadd.f32 v23, v5  }
0x10d: {  	v1 =	vadd.f32 v9, v1;
	v9 =	vld [tilespmem:s15+$0x0]  }
0x10e: {  	v4 =	vadd.f32 v7, v4;
	v3 =	vadd.f32 v3, v5;
	v5 =	vld [tilespmem:s13+$0x0]  }
0x10f: {  	v1 =	vadd.f32 v22, v1  }
0x110: {  	p1 =	por !p1, !p1;
	p2 =	sne.s32 s0, $0x3E00;
	v4 =	vadd.f32 v8, v4;
	v3 =	vadd.f32 v6, v3  }
0x111: {  	s16 =	smov.u32 s0;
	s22 =	sadd.s32 $0x200, s0;
	s0 =	simm.s32 $0x1;
	v2 =	vadd.f32 v10, v2;
	v1 =	vadd.f32 v14, v1  }
0x112: {  	s0 =	simm.s32 @!p1 $0x0;
	v4 =	vadd.f32 v9, v4;
	[tilespmem:s2+$0x0] =	vst v3  }
0x113: {  	s0 =	sshll.u32 s0, $0x6;
	v1 =	vadd.f32 v5, v1;
	[tilespmem:s26+$0x0] =	vst v2  }
0x114: {  	s25 =	sadd.s32 $0x40, s25;
	s7 =	sadd.s32 s0, s16;
	[tilespmem:s23+$0x0] =	vst v4  }
0x115: {  	[dreg:$0x3] =	wrdreg s25;
	s9 =	sadd.s32 $0x30, s7;
	[tilespmem:s19+$0x0] =	vst v1  }
0x116: {  	s29 =	sadd.s32 $0x40, s29;
	[dreg:$0xe] =	wrdreg s22;
	s17 =	sor.u32 $0x280, s9;
	v15 =	vld [tilespmem:s25+$0x0]  }
0x117: {  	s6 =	sand.u32 $0x3C00, s16;
	s12 =	sadd.s32 $0x10, s7;
	s15 =	sor.u32 $0x200, s9;
	v3 =	vld [tilespmem:s17+$0x8000]  }
0x118: {  	s14 =	smov.u32 s25;
	s4 =	sor.u32 $0x200, s12;
	s5 =	sand.u32 $0x40, s29;
	v4 =	vld [tilespmem:s15+$0x8000]  }
0x119: {  	s1 =	sor.u32 $0xC000, s6;
	s20 =	sor.u32 $0x280, s12;
	s13 =	sor.u32 $0x30, s5;
	v7 =	vld [tilespmem:s4+$0x8000]  }
0x11a: {  	[dreg:$0xf] =	wrdreg s14;
	s16 =	sor.u32 $0x8000, s6;
	s21 =	sor.u32 s13, s1;
	v6 =	vld [tilespmem:s20+$0x8000]  }
0x11b: {  	s31 =	sor.u32 $0xC380, s6;
	s18 =	sand.u32 $0x780, s29;
	s24 =	sor.u32 s5, s16;
	v2 =	vld [tilespmem:s21+$0x0]  }
0x11c: {  	s0 =	sor.u32 $0x200, s7;
	s26 =	sadd.s32 $0x20, s7;
	s23 =	sor.u32 s5, s1;
	v14 =	vld [tilespmem:s24+$0x180]  }
0x11d: {  	[dreg:$0xb] =	wrdreg s0;
	s0 =	sor.u32 $0xC200, s6;
	s14 =	sor.u32 $0x200, s26;
	v5 =	vld [tilespmem:s23+$0x0]  }
0x11e: {  	s28 =	sor.u32 $0x300, s9;
	s11 =	sor.u32 $0xC100, s6;
	s30 =	sor.u32 $0xC300, s6;
	v11 =	vld [tilespmem:s14+$0x8000]  }
0x11f: {  	s8 =	sor.u32 $0xC180, s6;
	s2 =	sor.u32 $0x10000, s18;
	s19 =	sor.u32 $0x380, s7;
	v28 =	vld [tilespmem:s24+$0x80]  }
0x120: {  	[dreg:$0x10] =	wrdreg s19;
	s25 =	sor.u32 s13, s16;
	s19 =	sor.u32 s5, s11;
	v30 =	vld [tilespmem:s24+$0x0]  }
0x121: {  	s17 =	sor.u32 $0xC080, s6;
	s20 =	sor.u32 s13, s11;
	[dreg:$0x13] =	wrdreg s19;
	v19 =	vld [tilespmem:s25+$0x180]  }
0x122: {  	s15 =	sor.u32 $0x10, s5;
	s21 =	sor.u32 s5, s8;
	[dreg:$0x4] =	wrdreg s20;
	v20 =	vld [tilespmem:s25+$0x100]  }
0x123: {  	s4 =	sor.u32 $0x20, s5;
	s23 =	sor.u32 $0x300, s12;
	[dreg:$0x12] =	wrdreg s21;
	v26 =	vld [tilespmem:s25+$0x80]  }
0x124: {  	s22 =	sor.u32 s13, s17;
	s3 =	sor.u32 s4, s2;
	[dreg:$0x18] =	wrdreg s23;
	v29 =	vld [tilespmem:s25+$0x0]  }
0x125: {  	s18 =	sor.u32 s5, s17;
	s19 =	sor.u32 s13, s0;
	s25 =	rddreg [dreg:$0x3];
	v1 =	vld [tilespmem:s22+$0x0]  }
0x126: {  	s20 =	sor.u32 $0x380, s26;
	s21 =	sor.u32 s4, s1;
	[dreg:$0x19] =	wrdreg s18;
	v9 =	vld [tilespmem:s3+$0x0]  }
0x127: {  	s23 =	sor.u32 s5, s0;
	s18 =	sor.u32 s15, s2;
	[dreg:$0x14] =	wrdreg s19;
	v18 =	vld [tilespmem:s20+$0x8000]  }
0x128: {  	s1 =	sor.u32 s15, s1;
	[dreg:$0x16] =	wrdreg s23;
	s23 =	sor.u32 s4, s16;
	v16 =	vld [tilespmem:s18+$0x0]  }
0x129: {  	s22 =	sor.u32 s13, s8;
	s19 =	sor.u32 s13, s2;
	[dreg:$0x15] =	wrdreg s21;
	v17 =	vld [tilespmem:s23+$0x180]  }
0x12a: {  	s21 =	sor.u32 $0x280, s7;
	s20 =	sor.u32 s4, s11;
	[dreg:$0x17] =	wrdreg s1;
	v12 =	vld [tilespmem:s23+$0x0]  }
0x12b: {  	s2 =	sor.u32 $0x300, s7;
	s7 =	sor.u32 s15, s0;
	[dreg:$0x1a] =	wrdreg s22;
	v10 =	vld [tilespmem:s21+$0x8000]  }
0x12c: {  	s22 =	sor.u32 s4, s17;
	s21 =	sor.u32 $0x380, s9;
	s9 =	sor.u32 $0x280, s26;
	v23 =	vld [tilespmem:s23+$0x100]  }
0x12d: {  	s17 =	sor.u32 s15, s17;
	v24 =	vld [tilespmem:s23+$0x80];
	[dreg:$0x11] =	wrdreg s22;
	s22 =	sor.u32 $0xC280, s6  }
0x12e: {  	v8 =	vld [tilespmem:s17+$0x0];
	s1 =	sor.u32 s5, s22;
	s10 =	sor.u32 s13, s22;
	s14 =	sor.u32 s15, s22  }
0x12f: {  	v21 =	vld [tilespmem:s9+$0x8000];
	[dreg:$0xd] =	wrdreg s10;
	s10 =	sor.u32 s4, s22;
	s22 =	sor.u32 s15, s16  }
0x130: {  	s23 =	smov.u32 s3;
	s3 =	rddreg [dreg:$0x10];
	s16 =	sor.u32 $0x380, s12;
	v22 =	vld [tilespmem:s22+$0x180]  }
0x131: {  	s6 =	sor.u32 s15, s11;
	s11 =	sor.u32 s13, s30;
	s9 =	rddreg [dreg:$0x1a];
	v13 =	vld [tilespmem:s16+$0x8000];
	v9 =	vadd.f32 v12, v9  }
0x132: {  	s0 =	sor.u32 s4, s0;
	s17 =	sor.u32 s4, s8;
	[dreg:$0x9] =	wrdreg s11;
	v25 =	vld [tilespmem:s22+$0x100]  }
0x133: {  	s11 =	sor.u32 s15, s30;
	s13 =	sor.u32 s13, s31;
	[dreg:$0xc] =	wrdreg s14;
	v9 =	vadd.f32 v24, v9;
	v24 =	vld [tilespmem:s19+$0x0]  }
0x134: {  	s14 =	sor.u32 s5, s30;
	s12 =	sor.u32 s15, s8;
	s8 =	sor.u32 s5, s31;
	v27 =	vld [tilespmem:s22+$0x80]  }
0x135: {  	s5 =	sor.u32 s15, s31;
	s15 =	sor.u32 s4, s31;
	s31 =	rddreg [dreg:$0x19];
	v9 =	vadd.f32 v23, v9;
	v23 =	vld [tilespmem:s22+$0x0]  }
0x136: {  	s30 =	sor.u32 s4, s30;
	s4 =	rddreg [dreg:$0x18];
	s16 =	sor.u32 $0x300, s26;
	v12 =	vld [tilespmem:s2+$0x8000]  }
0x137: {  	s26 =	smov.u32 s18;
	s18 =	rddreg [dreg:$0x13];
	v31 =	vld [tilespmem:s16+$0x8000];
	v9 =	vadd.f32 v17, v9  }
0x138: {  	s22 =	rddreg [dreg:$0x12];
	v17 =	vld [tilespmem:s4+$0x8000];
	v24 =	vadd.f32 v29, v24  }
0x139: {  	s2 =	rddreg [dreg:$0xf];
	v9 =	vadd.f32 v11, v9;
	v11 =	vld [tilespmem:s22+$0x0]  }
0x13a: {  	s16 =	rddreg [dreg:$0x11];
	v16 =	vadd.f32 v23, v16;
	v23 =	vadd.f32 v26, v24;
	v24 =	vld [tilespmem:s24+$0x100]  }
0x13b: {  	s4 =	rddreg [dreg:$0x14];
	v26 =	vadd.f32 v30, v15;
	v15 =	vld [tilespmem:s0+$0x0];
	v21 =	vadd.f32 v21, v9  }
.Ltmp4:
0x13c: {  	s22 =	rddreg [dreg:$0x16];
	v9 =	vld [tilespmem:s4+$0x0];
	v27 =	vadd.f32 v27, v16;
	(pc) =	sbr.rel @p2 .LBB2_7-.Ltmp4, $4  }
0x13d: {  	s4 =	rddreg [dreg:$0x17];
	v16 =	vld [tilespmem:s22+$0x0];
	v23 =	vadd.f32 v20, v23;
	v63 =	vadd.f32 v31, v21  }
0x13e: {  	s24 =	smov.u32 s30;
	s30 =	smov.u32 s14;
	s14 =	rddreg [dreg:$0x15];
	v26 =	vadd.f32 v28, v26;
	v20 =	vld [tilespmem:s4+$0x0];
	v25 =	vadd.f32 v25, v27  }
0x13f: {  	s22 =	rddreg [dreg:$0xb];
	v21 =	vadd.f32 v19, v23;
	v19 =	vadd.f32 v18, v63;
	v18 =	vld [tilespmem:s16+$0x0]  }
0x140: {  	s0 =	rddreg [dreg:$0xe];
	v24 =	vadd.f32 v24, v26;
	v23 =	vadd.f32 v22, v25;
	v22 =	vld [tilespmem:s22+$0x8000]  }
0x141: {  	v25 =	vld [tilespmem:s6+$0x0]  }
0x142: {  	v26 =	vld [tilespmem:s1+$0x0]  }
0x143: {  	v27 =	vld [tilespmem:s3+$0x8000];
	v14 =	vadd.f32 v14, v24  }
0x144: {  	v43 =	vld [tilespmem:s14+$0x0]  }
0x145: {  	v45 =	vld [tilespmem:s28+$0x8000];
	v14 =	vadd.f32 v22, v14  }
0x146: {  	v47 =	vld [tilespmem:s21+$0x8000];
	v7 =	vadd.f32 v7, v23  }
0x147: {  	v48 =	vld [tilespmem:s31+$0x0];
	v10 =	vadd.f32 v10, v14  }
0x148: {  	v4 =	vadd.f32 v4, v21;
	v49 =	vld [tilespmem:s12+$0x0];
	v6 =	vadd.f32 v6, v7  }
0x149: {  	v50 =	vld [tilespmem:s18+$0x0];
	v10 =	vadd.f32 v12, v10  }
0x14a: {  	v52 =	vld [tilespmem:s20+$0x0];
	v3 =	vadd.f32 v3, v4;
	v6 =	vadd.f32 v17, v6  }
0x14b: {  	v53 =	vld [tilespmem:s7+$0x0];
	v10 =	vadd.f32 v27, v10  }
0x14c: {  	v54 =	vld [tilespmem:s17+$0x0];
	v3 =	vadd.f32 v45, v3;
	v6 =	vadd.f32 v13, v6  }
0x14d: {  	v56 =	vld [tilespmem:s11+$0x0];
	v5 =	vadd.f32 v5, v10  }
0x14e: {  	s25 =	rddreg [dreg:$0x4];
	v57 =	vld [tilespmem:s10+$0x0];
	v3 =	vadd.f32 v47, v3;
	v6 =	vadd.f32 v20, v6  }
0x14f: {  	v44 =	vld [tilespmem:s25+$0x0];
	v19 =	vadd.f32 v43, v19;
	v5 =	vadd.f32 v48, v5  }
0x150: {  	v58 =	vld [tilespmem:s8+$0x0];
	v2 =	vadd.f32 v2, v3;
	v6 =	vadd.f32 v8, v6  }
0x151: {  	v55 =	vadd.f32 v18, v19;
	v3 =	vld [tilespmem:s9+$0x0];
	v5 =	vadd.f32 v50, v5  }
0x152: {  	s29 =	rddreg [dreg:$0xc];
	v59 =	vld [tilespmem:s24+$0x0];
	v1 =	vadd.f32 v1, v2;
	v6 =	vadd.f32 v25, v6  }
0x153: {  	v46 =	vld [tilespmem:s29+$0x0];
	v8 =	vadd.f32 v52, v55;
	v5 =	vadd.f32 v11, v5  }
0x154: {  	s0 =	rddreg [dreg:$0xd];
	v2 =	vld [tilespmem:s30+$0x0];
	v1 =	vadd.f32 v44, v1;
	v4 =	vadd.f32 v49, v6  }
0x155: {  	s31 =	rddreg [dreg:$0x9];
	v28 =	vld [tilespmem:s0+$0x0];
	v8 =	vadd.f32 v54, v8;
	v5 =	vadd.f32 v16, v5  }
0x156: {  	v51 =	vld [tilespmem:s31+$0x0];
	v1 =	vadd.f32 v3, v1;
	v4 =	vadd.f32 v53, v4  }
0x157: {  	v3 =	vld [tilespmem:s5+$0x0];
	v60 =	vadd.f32 v15, v8;
	v5 =	vadd.f32 v26, v5  }
0x158: {  	v61 =	vld [tilespmem:s15+$0x0];
	v1 =	vadd.f32 v9, v1;
	v4 =	vadd.f32 v46, v4  }
0x159: {  	v62 =	vld [tilespmem:s13+$0x0];
	v7 =	vadd.f32 v57, v60;
	v2 =	vadd.f32 v2, v5  }
0x15a: {  	v1 =	vadd.f32 v28, v1;
	v4 =	vadd.f32 v56, v4  }
0x15b: {  	v63 =	vadd.f32 v59, v7;
	v2 =	vadd.f32 v58, v2  }
.Ltmp5:
0x15c: {  	v1 =	vadd.f32 v51, v1;
	v3 =	vadd.f32 v3, v4;
	(pc) =	sbr.rel @p0 .LBB2_10-.Ltmp5, $4  }
0x15d: {  	[tilespmem:s2+$0x0] =	vst v2;
	v2 =	vadd.f32 v61, v63  }
0x15e: {  	v1 =	vadd.f32 v62, v1;
	[tilespmem:s26+$0x0] =	vst v3  }
0x15f: {  	[tilespmem:s23+$0x0] =	vst v2  }
0x160: {  	[tilespmem:s19+$0x0] =	vst v1  }
0x161: {  	s1 =	sld [smem:$0x7FA];
	_ =	sdelay $0x1  }
0x162: {  	s0 =	rddreg [dreg:$0x1e]  }
0x163: {  	s29 =	rddreg [dreg:$0x0];
	s0 =	sadd.s32 s1, s0  }
.Ltmp6:
0x164: {  	s31 =	sld [smem:$0x7FB];
	s0 =	sshrl.u32 s0, $0x3;
	(pc) =	sbr.rel .LBB2_4-.Ltmp6, $4  }
0x165: {  	s30 =	simm.s32 $0x0;
	s2 =	simm.s32 $0x8000;
	s0 =	sadd.s32 s29, s0  }
0x166: {  	[tilespmem:s2], [sflag:$0x2] =	stream.linear.gather [hbm4b:s0+s30], $0x8000, $0x38;
	[tilespmem:$0x10800] =	vst v63  }
0x167: {  	s0 =	sadd.s32 $0x1, s31  }
0x168: {  	[smem:$0x7FB] =	sst s0  }
.LBB2_11:
0x169: {  	_ =	sfence.sel $0x180000  }
0x16a: {  	[bflag:$0x0] =	sbarrier.arrive $0xFFFF  }
0x16b: {  	_ =	strace $0x90000047  }
0x16c: {  	s0 =	stileid.u32;
	[bflag:$0x2] =	sbarrier.arrive $0xFFFF  }
0x16d: {  	p0 =	sne.s32 s0, $0x0;
	s0 =	rddreg [dreg:$0x2]  }
0x16e: {  	s0 =	sadd.s32 @!p0 $0x100000, s0  }
0x16f: {  	[sflag:s0] =	ssyncadd.tile.s32 @!p0 $0x1;
	_ =	shalt  }
.Lfunc_end2:
_tile_overlayer_lowered:
.L_overlay_start_2:
0x170: {  	(tag) =	ssettag $0x2  }
0x171: {  	s0 =	rddreg [dreg:$0x0];
	s2 =	stileid.u32  }
0x172: {  	s1 =	rddreg [dreg:$0x1];
	p0 =	sne.s32 s2, $0x0  }
0x173: {  	s3 =	rddreg [dreg:$0x2];
	[bflag:$0x3] =	sbarrier.arrive $0xFFFF;
	s2 =	simm.s32 @!p0 $0x1C03  }
0x174: {  	[timem:s3], [sflag:s2] =	dma.local @!p0 [hbm:s0], s1  }
0x175: {  	s0 =	simm.s32 @!p0 $0x3  }
0x176: {  	_ =	swait.ge @!p0 [sflag:s0], s1  }
0x177: {  	s1 =	ssub.s32 @!p0 $0x0, s1;
	[sflag:s0] =	ssyncset.done @!p0 $0x0  }
0x178: {  	[sflag:s0] =	ssyncadd.s32 @!p0 s1  }
0x179: {  	[bflag:$0x3] =	sbarrier.arrive $0xFFFF  }
0x17a: {  	_ =	shalt  }

</sc_bundles>
